<compile_context>
chip_gen: v7x
topology: tpu7x:2x2x1
jax: 0.10.2.dev20260603
libtpu: 0.0.44.dev20260713+nightly
codegen_flags: <defaults>
</compile_context>

<pallas_src>
import functools

import jax
import jax.numpy as jnp
from jax import lax
from jax.experimental import pallas as pl
from jax.experimental.pallas import tpu as pltpu
from jax.experimental.pallas import tpu_sc as plsc

E = 8
TOP_K = 2
D = 768
FFN = 3072
T = 2048
CAP = 320
CPAD = 320
ROWS = E * CPAD
NW = 32
TPW = T // NW
BUF_ROWS = ROWS + NW
FB = 768
NF = FFN // FB



def _router_body(x_ref, wg_ref, d0s_ref, d1s_ref,
                 wslot_ref, aux_ref, cnt_ref, r_ref):
    logits = lax.dot_general(wg_ref[...], x_ref[...],
                             (((1,), (1,)), ((), ())),
                             preferred_element_type=jnp.float32)
    e_iota = lax.broadcasted_iota(jnp.int32, (E, T), 0).astype(jnp.float32)

    l0 = jnp.max(logits, axis=0, keepdims=True)
    is0 = logits == l0
    e0 = jnp.min(jnp.where(is0, e_iota, float(E)), axis=0, keepdims=True)
    logits1 = jnp.where(e_iota == e0, -jnp.inf, logits)
    l1 = jnp.max(logits1, axis=0, keepdims=True)
    e1 = jnp.min(jnp.where(logits1 == l1, e_iota, float(E)), axis=0,
                 keepdims=True)

    w0 = 1.0 / (1.0 + jnp.exp(l1 - l0))
    w1 = 1.0 - w0

    p = jnp.exp(logits - l0)
    p = p / jnp.sum(p, axis=0, keepdims=True)
    probs_mean = jnp.sum(p, axis=1, keepdims=True) / float(T)

    oh0 = (e_iota == e0).astype(jnp.float32)
    oh1 = (e_iota == e1).astype(jnp.float32)
    cnt = oh0 + oh1
    cnt_ref[...] = cnt
    tpe = jnp.sum(cnt, axis=1, keepdims=True)
    aux_ref[...] = 0.01 * float(E) * jnp.sum(tpe / float(T) * probs_mean,
                                             axis=0, keepdims=True)

    ri = lax.broadcasted_iota(jnp.int32, (128, 128), 0)
    ci = lax.broadcasted_iota(jnp.int32, (128, 128), 1)
    upper = (ri < ci).astype(jnp.float32)

    def chunk(c, carry):
        blk = cnt_ref[:, pl.ds(c * 128, 128)]
        r_ref[:, pl.ds(c * 128, 128)] = carry + lax.dot_general(
            blk, upper, (((1,), (0,)), ((), ())),
            preferred_element_type=jnp.float32)
        return carry + jnp.sum(blk, axis=1, keepdims=True)

    lax.fori_loop(0, T // 128, chunk, jnp.zeros((E, 1), jnp.float32))

    ranks = r_ref[...]
    r0 = jnp.sum(ranks * oh0, axis=0, keepdims=True)
    r1 = jnp.sum(ranks * oh1, axis=0, keepdims=True)
    keep0 = r0 < float(CAP)
    keep1 = r1 < float(CAP)

    slot0 = (e0 * float(CPAD) + r0).astype(jnp.int32)
    slot1 = (e1 * float(CPAD) + r1).astype(jnp.int32)
    t_iota = lax.broadcasted_iota(jnp.int32, (1, T), 1)
    dump = ROWS + t_iota // TPW
    d0s_ref[...] = jnp.where(keep0, slot0, dump)
    d1s_ref[...] = jnp.where(keep1, slot1, dump)

    wk0 = jnp.where(keep0, w0, 0.0)
    wk1 = jnp.where(keep1, w1, 0.0)
    s_iota = lax.broadcasted_iota(jnp.int32, (CPAD, 1), 0)
    for e in range(E):
        sid = s_iota + e * CPAD
        c0 = sid == d0s_ref[...]
        c1 = sid == d1s_ref[...]
        w = jnp.where(c0, wk0, 0.0) + jnp.where(c1, wk1, 0.0)
        wslot_ref[pl.ds(e * CPAD, CPAD), :] = jnp.sum(w, axis=1, keepdims=True)


def _run_router(x_flat, Wg):
    i32, f32 = jnp.int32, jnp.float32
    outs = pl.pallas_call(
        _router_body,
        out_shape=(
            jax.ShapeDtypeStruct((1, T), i32),
            jax.ShapeDtypeStruct((1, T), i32),
            jax.ShapeDtypeStruct((ROWS, 1), f32),
            jax.ShapeDtypeStruct((1, 1), f32),
        ),
        scratch_shapes=[pltpu.VMEM((E, T), f32), pltpu.VMEM((E, T), f32)],
    )(x_flat, Wg)
    return outs



@functools.cache
def _make_dispatch():
    mesh = plsc.VectorSubcoreMesh(core_axis_name="c", subcore_axis_name="s")

    @functools.partial(
        pl.kernel,
        out_type=jax.ShapeDtypeStruct((BUF_ROWS, D), jnp.float32),
        mesh=mesh,
        scratch_types=[
            pltpu.VMEM((TPW,), jnp.int32),
            pltpu.VMEM((TPW,), jnp.int32),
            pltpu.VMEM((TPW, D), jnp.float32),
            pltpu.SemaphoreType.DMA,
        ],
    )
    def _dispatch(x_hbm, d0_hbm, d1_hbm, buf_hbm, i0_v, i1_v, rows_v, sem):
        wid = lax.axis_index("s") * 2 + lax.axis_index("c")
        base = wid * TPW
        pltpu.sync_copy(d0_hbm.at[pl.ds(base, TPW)], i0_v)
        pltpu.sync_copy(d1_hbm.at[pl.ds(base, TPW)], i1_v)
        pltpu.sync_copy(x_hbm.at[pl.ds(base, TPW)], rows_v)
        pltpu.async_copy(rows_v, buf_hbm.at[i0_v], sem).wait()
        pltpu.async_copy(rows_v, buf_hbm.at[i1_v], sem).wait()

    return _dispatch



def _ffn_body(buf_ref, w1_ref, w3_ref, w2_ref, wcol_ref, ds0_ref, ds1_ref,
              out_ref, acc_ref):
    e = pl.program_id(0)
    f = pl.program_id(1)
    xb = buf_ref[...]
    h1 = lax.dot_general(xb, w1_ref[0], (((1,), (1,)), ((), ())),
                         preferred_element_type=jnp.float32)
    h3 = lax.dot_general(xb, w3_ref[0], (((1,), (1,)), ((), ())),
                         preferred_element_type=jnp.float32)
    g = h1 * jax.nn.sigmoid(h1) * h3
    part = lax.dot_general(g, w2_ref[0], (((1,), (1,)), ((), ())),
                           preferred_element_type=jnp.float32)

    @pl.when(f == 0)
    def _():
        acc_ref[...] = part

    @pl.when(f != 0)
    def _():
        acc_ref[...] += part

    @pl.when(f == NF - 1)
    def _():
        w = wcol_ref[...]
        yw = jnp.where(w != 0.0, acc_ref[...] * w, 0.0)
        yw16 = yw.astype(jnp.bfloat16)
        slot = (lax.broadcasted_iota(jnp.int32, (1, CPAD), 1) + e * CPAD)
        pmat = ((ds0_ref[...] == slot) | (ds1_ref[...] == slot))
        p16 = pmat.astype(jnp.bfloat16)
        contrib = lax.dot_general(p16, yw16, (((1,), (0,)), ((), ())),
                                  preferred_element_type=jnp.float32)

        @pl.when(e == 0)
        def _():
            out_ref[...] = contrib

        @pl.when(e != 0)
        def _():
            out_ref[...] += contrib


def _run_ffn_combine(buf, W1, W3, W2, wslot, ds0, ds1):
    out = pl.pallas_call(
        _ffn_body,
        grid=(E, NF),
        in_specs=[
            pl.BlockSpec((CPAD, D), lambda e, f: (e, 0)),
            pl.BlockSpec((1, FB, D), lambda e, f: (e, f, 0)),
            pl.BlockSpec((1, FB, D), lambda e, f: (e, f, 0)),
            pl.BlockSpec((1, D, FB), lambda e, f: (e, 0, f)),
            pl.BlockSpec((CPAD, 1), lambda e, f: (e, 0)),
            pl.BlockSpec((T, 1), lambda e, f: (0, 0)),
            pl.BlockSpec((T, 1), lambda e, f: (0, 0)),
        ],
        out_specs=pl.BlockSpec((T, D), lambda e, f: (0, 0)),
        out_shape=jax.ShapeDtypeStruct((T, D), jnp.float32),
        scratch_shapes=[pltpu.VMEM((CPAD, D), jnp.float32)],
    )(buf, W1, W3, W2, wslot, ds0, ds1)
    return out



def kernel(x, Wg, W1, W3, W2):
    bsz, seq, _ = x.shape
    x_flat = x.reshape(T, D)
    d0s, d1s, wslot, aux = _run_router(x_flat, Wg)
    buf = _make_dispatch()(x_flat, d0s.reshape(T), d1s.reshape(T))
    out = _run_ffn_combine(buf, W1, W3, W2, wslot,
                           d0s.reshape(T, 1), d1s.reshape(T, 1))
    return out.reshape(bsz, seq, D), aux[0, 0]

# --- scband reference (transcript-rebuilt; emitter-appended) ---
"""Pipeline reference for scband-mo-elayer-49606872268988 (READ-ONLY COPY).

The authoritative reference and input builder live on the scoring server;
editing this copy changes nothing except your own understanding.
"""

import jax, jax.numpy as jnp
import numpy as np
import math

E = 8
TOP_K = 2
CAP_FACTOR = 1.25
AUX_COEF = 0.01
D = 768
FFN = 3072

def setup_inputs(seed: int = 0) -> dict:
    key = jax.random.key(seed)
    ks = jax.random.split(key, 5)
    x = jax.random.normal(ks[0], (1, 2048, D), dtype=jnp.float32)
    Wg = jax.random.normal(ks[1], (E, D), dtype=jnp.float32) * 0.02
    W1 = jax.random.normal(ks[2], (E, FFN, D), dtype=jnp.float32) * 0.02
    W3 = jax.random.normal(ks[3], (E, FFN, D), dtype=jnp.float32) * 0.02
    W2 = jax.random.normal(ks[4], (E, D, FFN), dtype=jnp.float32) * 0.02
    return {"x": x, "Wg": Wg, "W1": W1, "W3": W3, "W2": W2}

def reference(x, Wg, W1, W3, W2):
    bsz, seq_len, dim = x.shape
    x_flat = x.reshape(-1, dim)
    num_tokens = x_flat.shape[0]
    router_logits = x_flat @ Wg.T
    raw_weights, expert_indices = jax.lax.top_k(router_logits, TOP_K)
    routing_weights = jax.nn.softmax(raw_weights.astype(jnp.float32), axis=-1)
    expert_mask = jax.nn.one_hot(expert_indices, E, dtype=jnp.float32).sum(axis=1)
    tokens_per_expert = expert_mask.sum(axis=0)
    token_fractions = tokens_per_expert / num_tokens
    router_probs = jax.nn.softmax(router_logits.astype(jnp.float32), axis=-1).mean(axis=0)
    aux_loss = AUX_COEF * E * jnp.sum(token_fractions * router_probs)
    capacity = min(max(1, math.ceil(num_tokens * CAP_FACTOR / E)), num_tokens)
    flat_experts = expert_indices.reshape(-1)
    expert_one_hot = jax.nn.one_hot(flat_experts, E, dtype=jnp.int32)
    ranks = (jnp.cumsum(expert_one_hot, axis=0) - 1) * expert_one_hot
    capacity_mask = jnp.take_along_axis(ranks < capacity, flat_experts[:, None], axis=1)[:, 0]
    capacity_mask2 = capacity_mask.reshape(num_tokens, TOP_K)
    routing_weights = routing_weights * capacity_mask2.astype(routing_weights.dtype)
    flat_inputs = jnp.repeat(x_flat, TOP_K, axis=0)
    expert_outputs = jnp.zeros_like(flat_inputs)
    for i in range(E):
        m = (flat_experts == i) & capacity_mask
        h = jax.nn.silu(flat_inputs @ W1[i].T) * (flat_inputs @ W3[i].T)
        h = h @ W2[i].T
        expert_outputs = jnp.where(m[:, None], h, expert_outputs)
    expert_outputs = expert_outputs.reshape(num_tokens, TOP_K, dim)
    final_output = jnp.sum(expert_outputs * routing_weights[:, :, None], axis=1)
    return (final_output.reshape(bsz, seq_len, dim), aux_loss.astype(x.dtype))

if __name__ == "__main__":
    import jax
    _d = setup_inputs()
    print(jax.jit(kernel)(*tuple(_d.values())))

</pallas_src>

<mosaic_0001>
#map = affine_map<(d0, d1) -> (0, 0)>
#map1 = affine_map<(d0, d1) -> (0)>
module attributes {stable_mosaic.version = 14 : i64} {
  func.func @_dispatch(%arg0: i32, %arg1: i32, %arg2: memref<2048x768xf32, #tpu.memory_space<hbm>>, %arg3: memref<2048xi32, #tpu.memory_space<hbm>>, %arg4: memref<2048xi32, #tpu.memory_space<hbm>>, %arg5: memref<2592x768xf32, #tpu.memory_space<hbm>>, %arg6: memref<64xi32, #tpu.memory_space<vmem>>, %arg7: memref<64xi32, #tpu.memory_space<vmem>>, %arg8: memref<64x768xf32, #tpu.memory_space<vmem>>, %arg9: memref<!tpu.dma_semaphore, #tpu.memory_space<semaphore_mem>>) attributes {dimension_semantics = [#tpu.dimension_semantics<core_parallel>, #tpu.dimension_semantics<subcore_parallel>], iteration_bounds = array<i64: 2, 16>, scalar_prefetch = 0 : i64, scratch_operands = 4 : i64, tpu.core_type = #tpu.core_type<sc_vector_subcore>, window_params = [{transform_indices = #map}, {transform_indices = #map1}, {transform_indices = #map1}, {transform_indices = #map}]} {
    %mul3A = arith.constant 2 : i32
    %mul3A_0 = arith.muli %arg1, %mul3A : i32
    %add3A = arith.addi %mul3A_0, %arg0 : i32
    %mul3A_1 = arith.constant 64 : i32
    %mul3A_2 = arith.muli %add3A, %mul3A_1 : i32
    "tpu.region"() ({
      %run_scoped3A = tpu.sem_alloc : memref<!tpu.dma_semaphore, #tpu.memory_space<semaphore_mem>>
      %dma_start3A_13 = tpu.memref_slice %arg3[%mul3A_2] : memref<2048xi32, #tpu.memory_space<hbm>> -> memref<64xi32, #tpu.memory_space<hbm>>
      %dma_start3A_14 = tpu.memref_slice %arg3[%mul3A_2] : memref<2048xi32, #tpu.memory_space<hbm>> -> memref<64xi32, #tpu.memory_space<hbm>>
      tpu.enqueue_dma source(%dma_start3A_14 : memref<64xi32, #tpu.memory_space<hbm>>) target(%arg6 : memref<64xi32, #tpu.memory_space<vmem>>) target_semaphore(%run_scoped3A : memref<!tpu.dma_semaphore, #tpu.memory_space<semaphore_mem>>)
      %dma_wait3A_15 = tpu.memref_slice %arg3[%mul3A_2] : memref<2048xi32, #tpu.memory_space<hbm>> -> memref<64xi32, #tpu.memory_space<hbm>>
      %dma_wait3A_16 = tpu.memref_slice %arg3[%mul3A_2] : memref<2048xi32, #tpu.memory_space<hbm>> -> memref<64xi32, #tpu.memory_space<hbm>>
      tpu.wait_dma2 semaphore(%run_scoped3A : memref<!tpu.dma_semaphore, #tpu.memory_space<semaphore_mem>>) src(%dma_wait3A_16 : memref<64xi32, #tpu.memory_space<hbm>>) dst(%arg6 : memref<64xi32, #tpu.memory_space<vmem>>)
      tpu.yield
    }) : () -> ()
    "tpu.region"() ({
      %run_scoped3A = tpu.sem_alloc : memref<!tpu.dma_semaphore, #tpu.memory_space<semaphore_mem>>
      %dma_start3A_13 = tpu.memref_slice %arg4[%mul3A_2] : memref<2048xi32, #tpu.memory_space<hbm>> -> memref<64xi32, #tpu.memory_space<hbm>>
      %dma_start3A_14 = tpu.memref_slice %arg4[%mul3A_2] : memref<2048xi32, #tpu.memory_space<hbm>> -> memref<64xi32, #tpu.memory_space<hbm>>
      tpu.enqueue_dma source(%dma_start3A_14 : memref<64xi32, #tpu.memory_space<hbm>>) target(%arg7 : memref<64xi32, #tpu.memory_space<vmem>>) target_semaphore(%run_scoped3A : memref<!tpu.dma_semaphore, #tpu.memory_space<semaphore_mem>>)
      %dma_wait3A_15 = tpu.memref_slice %arg4[%mul3A_2] : memref<2048xi32, #tpu.memory_space<hbm>> -> memref<64xi32, #tpu.memory_space<hbm>>
      %dma_wait3A_16 = tpu.memref_slice %arg4[%mul3A_2] : memref<2048xi32, #tpu.memory_space<hbm>> -> memref<64xi32, #tpu.memory_space<hbm>>
      tpu.wait_dma2 semaphore(%run_scoped3A : memref<!tpu.dma_semaphore, #tpu.memory_space<semaphore_mem>>) src(%dma_wait3A_16 : memref<64xi32, #tpu.memory_space<hbm>>) dst(%arg7 : memref<64xi32, #tpu.memory_space<vmem>>)
      tpu.yield
    }) : () -> ()
    "tpu.region"() ({
      %run_scoped3A = tpu.sem_alloc : memref<!tpu.dma_semaphore, #tpu.memory_space<semaphore_mem>>
      %dma_start3A_13 = arith.constant 0 : i32
      %dma_start3A_14 = tpu.memref_slice %arg2[%mul3A_2, %dma_start3A_13] : memref<2048x768xf32, #tpu.memory_space<hbm>> -> memref<64x768xf32, #tpu.memory_space<hbm>>
      %dma_start3A_15 = arith.constant 0 : i32
      %dma_start3A_16 = tpu.memref_slice %arg2[%mul3A_2, %dma_start3A_15] : memref<2048x768xf32, #tpu.memory_space<hbm>> -> memref<64x768xf32, #tpu.memory_space<hbm>>
      tpu.enqueue_dma source(%dma_start3A_16 : memref<64x768xf32, #tpu.memory_space<hbm>>) target(%arg8 : memref<64x768xf32, #tpu.memory_space<vmem>>) target_semaphore(%run_scoped3A : memref<!tpu.dma_semaphore, #tpu.memory_space<semaphore_mem>>)
      %dma_wait3A_17 = arith.constant 0 : i32
      %dma_wait3A_18 = tpu.memref_slice %arg2[%mul3A_2, %dma_wait3A_17] : memref<2048x768xf32, #tpu.memory_space<hbm>> -> memref<64x768xf32, #tpu.memory_space<hbm>>
      %dma_wait3A_19 = arith.constant 0 : i32
      %dma_wait3A_20 = tpu.memref_slice %arg2[%mul3A_2, %dma_wait3A_19] : memref<2048x768xf32, #tpu.memory_space<hbm>> -> memref<64x768xf32, #tpu.memory_space<hbm>>
      tpu.wait_dma2 semaphore(%run_scoped3A : memref<!tpu.dma_semaphore, #tpu.memory_space<semaphore_mem>>) src(%dma_wait3A_20 : memref<64x768xf32, #tpu.memory_space<hbm>>) dst(%arg8 : memref<64x768xf32, #tpu.memory_space<vmem>>)
      tpu.yield
    }) : () -> ()
    %dma_start3A = arith.constant 0 : i32
    %dma_start3A_3 = arith.constant 0 : i32
    %dma_start3A_4 = tpu.memref_slice %arg5[%dma_start3A, %dma_start3A_3] : memref<2592x768xf32, #tpu.memory_space<hbm>> -> memref<2592x768xf32, #tpu.memory_space<hbm>>
    tpu.enqueue_indirect_dma source(%arg8 : memref<64x768xf32, #tpu.memory_space<vmem>>) target(%dma_start3A_4 : memref<2592x768xf32, #tpu.memory_space<hbm>>) offsets(%arg6 : memref<64xi32, #tpu.memory_space<vmem>>) semaphore(%arg9 : memref<!tpu.dma_semaphore, #tpu.memory_space<semaphore_mem>>)
    %dma_wait3A = arith.constant 0 : i32
    %dma_wait3A_5 = arith.constant 0 : i32
    %dma_wait3A_6 = tpu.memref_slice %arg5[%dma_wait3A, %dma_wait3A_5] : memref<2592x768xf32, #tpu.memory_space<hbm>> -> memref<2592x768xf32, #tpu.memory_space<hbm>>
    tpu.wait_indirect_dma semaphore(%arg9 : memref<!tpu.dma_semaphore, #tpu.memory_space<semaphore_mem>>) src(%arg8 : memref<64x768xf32, #tpu.memory_space<vmem>>) dst(%dma_wait3A_6 : memref<2592x768xf32, #tpu.memory_space<hbm>>)
    %dma_start3A_7 = arith.constant 0 : i32
    %dma_start3A_8 = arith.constant 0 : i32
    %dma_start3A_9 = tpu.memref_slice %arg5[%dma_start3A_7, %dma_start3A_8] : memref<2592x768xf32, #tpu.memory_space<hbm>> -> memref<2592x768xf32, #tpu.memory_space<hbm>>
    tpu.enqueue_indirect_dma source(%arg8 : memref<64x768xf32, #tpu.memory_space<vmem>>) target(%dma_start3A_9 : memref<2592x768xf32, #tpu.memory_space<hbm>>) offsets(%arg7 : memref<64xi32, #tpu.memory_space<vmem>>) semaphore(%arg9 : memref<!tpu.dma_semaphore, #tpu.memory_space<semaphore_mem>>)
    %dma_wait3A_10 = arith.constant 0 : i32
    %dma_wait3A_11 = arith.constant 0 : i32
    %dma_wait3A_12 = tpu.memref_slice %arg5[%dma_wait3A_10, %dma_wait3A_11] : memref<2592x768xf32, #tpu.memory_space<hbm>> -> memref<2592x768xf32, #tpu.memory_space<hbm>>
    tpu.wait_indirect_dma semaphore(%arg9 : memref<!tpu.dma_semaphore, #tpu.memory_space<semaphore_mem>>) src(%arg8 : memref<64x768xf32, #tpu.memory_space<vmem>>) dst(%dma_wait3A_12 : memref<2592x768xf32, #tpu.memory_space<hbm>>)
    return
  }
}

module attributes {stable_mosaic.version = 14 : i64} {
  func.func @_router_body(%arg0: memref<2048x768xf32, #tpu.memory_space<vmem>>, %arg1: memref<8x768xf32, #tpu.memory_space<vmem>>, %arg2: memref<1x2048xi32, #tpu.memory_space<vmem>>, %arg3: memref<1x2048xi32, #tpu.memory_space<vmem>>, %arg4: memref<2560x1xf32, #tpu.memory_space<vmem>>, %arg5: memref<1x1xf32, #tpu.memory_space<vmem>>, %arg6: memref<8x2048xf32, #tpu.memory_space<vmem>>, %arg7: memref<8x2048xf32, #tpu.memory_space<vmem>>) attributes {dimension_semantics = [], scalar_prefetch = 0 : i64, scratch_operands = 2 : i64, tpu.core_type = #tpu.core_type<tc>} {
    %get3A = arith.constant 0 : index
    %get3A_0 = arith.constant 0 : index
    %get3A_1 = vector.load %arg1[%get3A, %get3A_0] : memref<8x768xf32, #tpu.memory_space<vmem>>, vector<8x768xf32>
    %get3A_2 = arith.constant 0 : index
    %get3A_3 = arith.constant 0 : index
    %get3A_4 = vector.load %arg0[%get3A_2, %get3A_3] : memref<2048x768xf32, #tpu.memory_space<vmem>>, vector<2048x768xf32>
    %dot_general3A = arith.constant dense<0.000000e+00> : vector<8x2048xf32>
    %dot_general3A_5 = tpu.matmul %get3A_1, %get3A_4, %dot_general3A {dimension_numbers = #tpu.dot_dimension_numbers<[1], [1], [0], [0], [0, 0, 1, 0], [], []>, transpose_lhs_hint = false} : vector<8x768xf32>, vector<2048x768xf32>, vector<8x2048xf32> -> vector<8x2048xf32>
    %iota3A = tpu.iota {dimensions = array<i32: 0>} : vector<8x2048xi32>
    %convert_element_type3A = arith.sitofp %iota3A : vector<8x2048xi32> to vector<8x2048xf32>
    %reduce_max3A = arith.constant dense<0xFF800000> : vector<2048xf32>
    %reduce_max3A_6 = vector.multi_reduction <maximumf>, %dot_general3A_5, %reduce_max3A [0] : vector<8x2048xf32> to vector<2048xf32>
    %broadcast_in_dim3A = vector.shape_cast %reduce_max3A_6 : vector<2048xf32> to vector<1x2048xf32>
    %eq3A = vector.broadcast %broadcast_in_dim3A : vector<1x2048xf32> to vector<8x2048xf32>
    %eq3A_7 = arith.cmpf oeq, %dot_general3A_5, %eq3A : vector<8x2048xf32>
    %jit3A = arith.constant 8.000000e+00 : f32
    %broadcast_in_dim3A_8 = vector.broadcast %jit3A : f32 to vector<8x2048xf32>
    %select_n3A = arith.select %eq3A_7, %convert_element_type3A, %broadcast_in_dim3A_8 : vector<8x2048xi1>, vector<8x2048xf32>
    %reduce_min3A = arith.constant dense<0x7F800000> : vector<2048xf32>
    %reduce_min3A_9 = vector.multi_reduction <minimumf>, %select_n3A, %reduce_min3A [0] : vector<8x2048xf32> to vector<2048xf32>
    %broadcast_in_dim3A_10 = vector.shape_cast %reduce_min3A_9 : vector<2048xf32> to vector<1x2048xf32>
    %eq3A_11 = vector.broadcast %broadcast_in_dim3A_10 : vector<1x2048xf32> to vector<8x2048xf32>
    %eq3A_12 = arith.cmpf oeq, %convert_element_type3A, %eq3A_11 : vector<8x2048xf32>
    %jit3A_13 = arith.constant 0xFF800000 : f32
    %broadcast_in_dim3A_14 = vector.broadcast %jit3A_13 : f32 to vector<8x2048xf32>
    %select_n3A_15 = arith.select %eq3A_12, %broadcast_in_dim3A_14, %dot_general3A_5 : vector<8x2048xi1>, vector<8x2048xf32>
    %reduce_max3A_16 = arith.constant dense<0xFF800000> : vector<2048xf32>
    %reduce_max3A_17 = vector.multi_reduction <maximumf>, %select_n3A_15, %reduce_max3A_16 [0] : vector<8x2048xf32> to vector<2048xf32>
    %broadcast_in_dim3A_18 = vector.shape_cast %reduce_max3A_17 : vector<2048xf32> to vector<1x2048xf32>
    %eq3A_19 = vector.broadcast %broadcast_in_dim3A_18 : vector<1x2048xf32> to vector<8x2048xf32>
    %eq3A_20 = arith.cmpf oeq, %select_n3A_15, %eq3A_19 : vector<8x2048xf32>
    %jit3A_21 = arith.constant 8.000000e+00 : f32
    %broadcast_in_dim3A_22 = vector.broadcast %jit3A_21 : f32 to vector<8x2048xf32>
    %select_n3A_23 = arith.select %eq3A_20, %convert_element_type3A, %broadcast_in_dim3A_22 : vector<8x2048xi1>, vector<8x2048xf32>
    %reduce_min3A_24 = arith.constant dense<0x7F800000> : vector<2048xf32>
    %reduce_min3A_25 = vector.multi_reduction <minimumf>, %select_n3A_23, %reduce_min3A_24 [0] : vector<8x2048xf32> to vector<2048xf32>
    %broadcast_in_dim3A_26 = vector.shape_cast %reduce_min3A_25 : vector<2048xf32> to vector<1x2048xf32>
    %sub3A = arith.subf %broadcast_in_dim3A_18, %broadcast_in_dim3A : vector<1x2048xf32>
    %exp3A = math.exp %sub3A : vector<1x2048xf32>
    %add3A = arith.constant 1.000000e+00 : f32
    %add3A_27 = vector.broadcast %add3A : f32 to vector<1x2048xf32>
    %add3A_28 = arith.addf %add3A_27, %exp3A : vector<1x2048xf32>
    %div3A = arith.constant 1.000000e+00 : f32
    %div3A_29 = vector.broadcast %div3A : f32 to vector<1x2048xf32>
    %div3A_30 = arith.divf %div3A_29, %add3A_28 : vector<1x2048xf32>
    %sub3A_31 = arith.constant 1.000000e+00 : f32
    %sub3A_32 = vector.broadcast %sub3A_31 : f32 to vector<1x2048xf32>
    %sub3A_33 = arith.subf %sub3A_32, %div3A_30 : vector<1x2048xf32>
    %sub3A_34 = vector.broadcast %broadcast_in_dim3A : vector<1x2048xf32> to vector<8x2048xf32>
    %sub3A_35 = arith.subf %dot_general3A_5, %sub3A_34 : vector<8x2048xf32>
    %exp3A_36 = math.exp %sub3A_35 : vector<8x2048xf32>
    %reduce_sum3A = arith.constant dense<0.000000e+00> : vector<2048xf32>
    %reduce_sum3A_37 = vector.multi_reduction <add>, %exp3A_36, %reduce_sum3A [0] : vector<8x2048xf32> to vector<2048xf32>
    %broadcast_in_dim3A_38 = vector.shape_cast %reduce_sum3A_37 : vector<2048xf32> to vector<1x2048xf32>
    %div3A_39 = vector.broadcast %broadcast_in_dim3A_38 : vector<1x2048xf32> to vector<8x2048xf32>
    %div3A_40 = arith.divf %exp3A_36, %div3A_39 : vector<8x2048xf32>
    %reduce_sum3A_41 = arith.constant dense<0.000000e+00> : vector<8xf32>
    %reduce_sum3A_42 = vector.multi_reduction <add>, %div3A_40, %reduce_sum3A_41 [1] : vector<8x2048xf32> to vector<8xf32>
    %broadcast_in_dim3A_43 = vector.shape_cast %reduce_sum3A_42 : vector<8xf32> to vector<8x1xf32>
    %div3A_44 = arith.constant 2.048000e+03 : f32
    %div3A_45 = vector.broadcast %div3A_44 : f32 to vector<8x1xf32>
    %div3A_46 = arith.divf %broadcast_in_dim3A_43, %div3A_45 : vector<8x1xf32>
    %eq3A_47 = vector.broadcast %broadcast_in_dim3A_10 : vector<1x2048xf32> to vector<8x2048xf32>
    %eq3A_48 = arith.cmpf oeq, %convert_element_type3A, %eq3A_47 : vector<8x2048xf32>
    %convert_element_type3A_49 = arith.extui %eq3A_48 : vector<8x2048xi1> to vector<8x2048xi32>
    %convert_element_type3A_50 = arith.sitofp %convert_element_type3A_49 : vector<8x2048xi32> to vector<8x2048xf32>
    %eq3A_51 = vector.broadcast %broadcast_in_dim3A_26 : vector<1x2048xf32> to vector<8x2048xf32>
    %eq3A_52 = arith.cmpf oeq, %convert_element_type3A, %eq3A_51 : vector<8x2048xf32>
    %convert_element_type3A_53 = arith.extui %eq3A_52 : vector<8x2048xi1> to vector<8x2048xi32>
    %convert_element_type3A_54 = arith.sitofp %convert_element_type3A_53 : vector<8x2048xi32> to vector<8x2048xf32>
    %add3A_55 = arith.addf %convert_element_type3A_50, %convert_element_type3A_54 : vector<8x2048xf32>
    %swap3A = arith.constant 0 : index
    %swap3A_56 = arith.constant 0 : index
    %swap3A_57 = vector.load %arg6[%swap3A, %swap3A_56] : memref<8x2048xf32, #tpu.memory_space<vmem>>, vector<8x2048xf32>
    tpu.vector_store %arg6[%swap3A, %swap3A_56], %add3A_55 {strides = array<i32>} : memref<8x2048xf32, #tpu.memory_space<vmem>>, vector<8x2048xf32>,
    %reduce_sum3A_58 = arith.constant dense<0.000000e+00> : vector<8xf32>
    %reduce_sum3A_59 = vector.multi_reduction <add>, %add3A_55, %reduce_sum3A_58 [1] : vector<8x2048xf32> to vector<8xf32>
    %broadcast_in_dim3A_60 = vector.shape_cast %reduce_sum3A_59 : vector<8xf32> to vector<8x1xf32>
    %div3A_61 = arith.constant 2.048000e+03 : f32
    %div3A_62 = vector.broadcast %div3A_61 : f32 to vector<8x1xf32>
    %div3A_63 = arith.divf %broadcast_in_dim3A_60, %div3A_62 : vector<8x1xf32>
    %mul3A = arith.mulf %div3A_63, %div3A_46 : vector<8x1xf32>
    %reduce_sum3A_64 = arith.constant dense<0.000000e+00> : vector<1xf32>
    %reduce_sum3A_65 = vector.multi_reduction <add>, %mul3A, %reduce_sum3A_64 [0] : vector<8x1xf32> to vector<1xf32>
    %broadcast_in_dim3A_66 = vector.shape_cast %reduce_sum3A_65 : vector<1xf32> to vector<1x1xf32>
    %mul3A_67 = arith.constant 8.000000e-02 : f32
    %mul3A_68 = vector.broadcast %mul3A_67 : f32 to vector<1x1xf32>
    %mul3A_69 = arith.mulf %mul3A_68, %broadcast_in_dim3A_66 : vector<1x1xf32>
    %swap3A_70 = arith.constant 0 : index
    %swap3A_71 = arith.constant 0 : index
    %swap3A_72 = vector.load %arg5[%swap3A_70, %swap3A_71] : memref<1x1xf32, #tpu.memory_space<vmem>>, vector<1x1xf32>
    tpu.vector_store %arg5[%swap3A_70, %swap3A_71], %mul3A_69 {strides = array<i32>} : memref<1x1xf32, #tpu.memory_space<vmem>>, vector<1x1xf32>,
    %iota3A_73 = tpu.iota {dimensions = array<i32: 0>} : vector<128x128xi32>
    %iota3A_74 = tpu.iota {dimensions = array<i32: 1>} : vector<128x128xi32>
    %lt3A = arith.cmpi slt, %iota3A_73, %iota3A_74 : vector<128x128xi32>
    %convert_element_type3A_75 = arith.extui %lt3A : vector<128x128xi1> to vector<128x128xi32>
    %convert_element_type3A_76 = arith.sitofp %convert_element_type3A_75 : vector<128x128xi32> to vector<128x128xf32>
    %broadcast_in_dim3A_77 = arith.constant 0.000000e+00 : f32
    %broadcast_in_dim3A_78 = vector.broadcast %broadcast_in_dim3A_77 : f32 to vector<8x1xf32>
    %scan3A = arith.constant 0 : i32
    %scan3A_79 = arith.constant 16 : i32
    %scan3A_80 = arith.addi %scan3A, %scan3A_79 : i32
    %scan3A_81 = arith.constant 1 : i32
    %scan3A_82 = scf.for %scan3A_413 = %scan3A to %scan3A_80 step %scan3A_81 iter_args(%scan3A_414 = %broadcast_in_dim3A_78) -> (vector<8x1xf32>)  : i32 {
      %mul3A_415 = arith.constant 128 : i32
      %mul3A_416 = arith.muli %scan3A_413, %mul3A_415 : i32
      %get3A_417 = arith.constant 0 : index
      %get3A_418 = arith.index_cast %mul3A_416 : i32 to index
      %get3A_419 = vector.load %arg6[%get3A_417, %get3A_418] : memref<8x2048xf32, #tpu.memory_space<vmem>>, vector<8x128xf32>
      %dot_general3A_420 = arith.constant dense<0.000000e+00> : vector<8x128xf32>
      %dot_general3A_421 = tpu.matmul %get3A_419, %convert_element_type3A_76, %dot_general3A_420 {dimension_numbers = #tpu.dot_dimension_numbers<[1], [0], [0], [1], [0, 0, 1, 1], [], []>, transpose_lhs_hint = false} : vector<8x128xf32>, vector<128x128xf32>, vector<8x128xf32> -> vector<8x128xf32>
      %add3A_422 = vector.broadcast %scan3A_414 : vector<8x1xf32> to vector<8x128xf32>
      %add3A_423 = arith.addf %add3A_422, %dot_general3A_421 : vector<8x128xf32>
      %mul3A_424 = arith.constant 128 : i32
      %mul3A_425 = arith.muli %scan3A_413, %mul3A_424 : i32
      %swap3A_426 = arith.constant 0 : index
      %swap3A_427 = arith.index_cast %mul3A_425 : i32 to index
      %swap3A_428 = vector.load %arg7[%swap3A_426, %swap3A_427] : memref<8x2048xf32, #tpu.memory_space<vmem>>, vector<8x128xf32>
      tpu.vector_store %arg7[%swap3A_426, %swap3A_427], %add3A_423 {strides = array<i32>} : memref<8x2048xf32, #tpu.memory_space<vmem>>, vector<8x128xf32>,
      %reduce_sum3A_429 = arith.constant dense<0.000000e+00> : vector<8xf32>
      %reduce_sum3A_430 = vector.multi_reduction <add>, %get3A_419, %reduce_sum3A_429 [1] : vector<8x128xf32> to vector<8xf32>
      %broadcast_in_dim3A_431 = vector.shape_cast %reduce_sum3A_430 : vector<8xf32> to vector<8x1xf32>
      %add3A_432 = arith.addf %scan3A_414, %broadcast_in_dim3A_431 : vector<8x1xf32>
      scf.yield %add3A_432 : vector<8x1xf32>
    }
    %scan3A_83 = arith.constant 16 : i32
    %get3A_84 = arith.constant 0 : index
    %get3A_85 = arith.constant 0 : index
    %get3A_86 = vector.load %arg7[%get3A_84, %get3A_85] : memref<8x2048xf32, #tpu.memory_space<vmem>>, vector<8x2048xf32>
    %mul3A_87 = arith.mulf %get3A_86, %convert_element_type3A_50 : vector<8x2048xf32>
    %reduce_sum3A_88 = arith.constant dense<0.000000e+00> : vector<2048xf32>
    %reduce_sum3A_89 = vector.multi_reduction <add>, %mul3A_87, %reduce_sum3A_88 [0] : vector<8x2048xf32> to vector<2048xf32>
    %broadcast_in_dim3A_90 = vector.shape_cast %reduce_sum3A_89 : vector<2048xf32> to vector<1x2048xf32>
    %mul3A_91 = arith.mulf %get3A_86, %convert_element_type3A_54 : vector<8x2048xf32>
    %reduce_sum3A_92 = arith.constant dense<0.000000e+00> : vector<2048xf32>
    %reduce_sum3A_93 = vector.multi_reduction <add>, %mul3A_91, %reduce_sum3A_92 [0] : vector<8x2048xf32> to vector<2048xf32>
    %broadcast_in_dim3A_94 = vector.shape_cast %reduce_sum3A_93 : vector<2048xf32> to vector<1x2048xf32>
    %lt3A_95 = arith.constant 3.200000e+02 : f32
    %lt3A_96 = vector.broadcast %lt3A_95 : f32 to vector<1x2048xf32>
    %lt3A_97 = arith.cmpf olt, %broadcast_in_dim3A_90, %lt3A_96 : vector<1x2048xf32>
    %lt3A_98 = arith.constant 3.200000e+02 : f32
    %lt3A_99 = vector.broadcast %lt3A_98 : f32 to vector<1x2048xf32>
    %lt3A_100 = arith.cmpf olt, %broadcast_in_dim3A_94, %lt3A_99 : vector<1x2048xf32>
    %mul3A_101 = arith.constant 3.200000e+02 : f32
    %mul3A_102 = vector.broadcast %mul3A_101 : f32 to vector<1x2048xf32>
    %mul3A_103 = arith.mulf %broadcast_in_dim3A_10, %mul3A_102 : vector<1x2048xf32>
    %add3A_104 = arith.addf %mul3A_103, %broadcast_in_dim3A_90 : vector<1x2048xf32>
    %convert_element_type3A_105 = arith.fptosi %add3A_104 : vector<1x2048xf32> to vector<1x2048xi32>
    %mul3A_106 = arith.constant 3.200000e+02 : f32
    %mul3A_107 = vector.broadcast %mul3A_106 : f32 to vector<1x2048xf32>
    %mul3A_108 = arith.mulf %broadcast_in_dim3A_26, %mul3A_107 : vector<1x2048xf32>
    %add3A_109 = arith.addf %mul3A_108, %broadcast_in_dim3A_94 : vector<1x2048xf32>
    %convert_element_type3A_110 = arith.fptosi %add3A_109 : vector<1x2048xf32> to vector<1x2048xi32>
    %iota3A_111 = tpu.iota {dimensions = array<i32: 1>} : vector<1x2048xi32>
    %jit3A_112 = arith.constant 64 : i32
    %div3A_113 = vector.broadcast %jit3A_112 : i32 to vector<1x2048xi32>
    %div3A_114 = arith.divsi %iota3A_111, %div3A_113 : vector<1x2048xi32>
    %sign3A = arith.constant 0 : i32
    %sign3A_115 = vector.broadcast %sign3A : i32 to vector<1x2048xi32>
    %sign3A_116 = arith.cmpi sgt, %iota3A_111, %sign3A_115 : vector<1x2048xi32>
    %sign3A_117 = arith.extui %sign3A_116 : vector<1x2048xi1> to vector<1x2048xi32>
    %sign3A_118 = arith.constant 0 : i32
    %sign3A_119 = vector.broadcast %sign3A_118 : i32 to vector<1x2048xi32>
    %sign3A_120 = arith.cmpi slt, %iota3A_111, %sign3A_119 : vector<1x2048xi32>
    %sign3A_121 = arith.extui %sign3A_120 : vector<1x2048xi1> to vector<1x2048xi32>
    %sign3A_122 = arith.subi %sign3A_117, %sign3A_121 : vector<1x2048xi32>
    %sign3A_123 = arith.constant 0 : i32
    %sign3A_124 = arith.cmpi sgt, %jit3A_112, %sign3A_123 : i32
    %sign3A_125 = arith.extui %sign3A_124 : i1 to i32
    %sign3A_126 = arith.constant 0 : i32
    %sign3A_127 = arith.cmpi slt, %jit3A_112, %sign3A_126 : i32
    %sign3A_128 = arith.extui %sign3A_127 : i1 to i32
    %sign3A_129 = arith.subi %sign3A_125, %sign3A_128 : i32
    %ne3A = vector.broadcast %sign3A_129 : i32 to vector<1x2048xi32>
    %ne3A_130 = arith.cmpi ne, %sign3A_122, %ne3A : vector<1x2048xi32>
    %rem3A = vector.broadcast %jit3A_112 : i32 to vector<1x2048xi32>
    %rem3A_131 = arith.remsi %iota3A_111, %rem3A : vector<1x2048xi32>
    %ne3A_132 = arith.constant 0 : i32
    %ne3A_133 = vector.broadcast %ne3A_132 : i32 to vector<1x2048xi32>
    %ne3A_134 = arith.cmpi ne, %rem3A_131, %ne3A_133 : vector<1x2048xi32>
    %and3A = arith.andi %ne3A_130, %ne3A_134 : vector<1x2048xi1>
    %sub3A_135 = arith.constant 1 : i32
    %sub3A_136 = vector.broadcast %sub3A_135 : i32 to vector<1x2048xi32>
    %sub3A_137 = arith.subi %div3A_114, %sub3A_136 : vector<1x2048xi32>
    %select_n3A_138 = arith.select %and3A, %sub3A_137, %div3A_114 : vector<1x2048xi1>, vector<1x2048xi32>
    %add3A_139 = arith.constant 2560 : i32
    %add3A_140 = vector.broadcast %add3A_139 : i32 to vector<1x2048xi32>
    %add3A_141 = arith.addi %add3A_140, %select_n3A_138 : vector<1x2048xi32>
    %select_n3A_142 = arith.select %lt3A_97, %convert_element_type3A_105, %add3A_141 : vector<1x2048xi1>, vector<1x2048xi32>
    %swap3A_143 = arith.constant 0 : index
    %swap3A_144 = arith.constant 0 : index
    %swap3A_145 = vector.load %arg2[%swap3A_143, %swap3A_144] : memref<1x2048xi32, #tpu.memory_space<vmem>>, vector<1x2048xi32>
    tpu.vector_store %arg2[%swap3A_143, %swap3A_144], %select_n3A_142 {strides = array<i32>} : memref<1x2048xi32, #tpu.memory_space<vmem>>, vector<1x2048xi32>,
    %select_n3A_146 = arith.select %lt3A_100, %convert_element_type3A_110, %add3A_141 : vector<1x2048xi1>, vector<1x2048xi32>
    %swap3A_147 = arith.constant 0 : index
    %swap3A_148 = arith.constant 0 : index
    %swap3A_149 = vector.load %arg3[%swap3A_147, %swap3A_148] : memref<1x2048xi32, #tpu.memory_space<vmem>>, vector<1x2048xi32>
    tpu.vector_store %arg3[%swap3A_147, %swap3A_148], %select_n3A_146 {strides = array<i32>} : memref<1x2048xi32, #tpu.memory_space<vmem>>, vector<1x2048xi32>,
    %jit3A_150 = arith.constant 0.000000e+00 : f32
    %broadcast_in_dim3A_151 = vector.broadcast %jit3A_150 : f32 to vector<1x2048xf32>
    %select_n3A_152 = arith.select %lt3A_97, %div3A_30, %broadcast_in_dim3A_151 : vector<1x2048xi1>, vector<1x2048xf32>
    %jit3A_153 = arith.constant 0.000000e+00 : f32
    %broadcast_in_dim3A_154 = vector.broadcast %jit3A_153 : f32 to vector<1x2048xf32>
    %select_n3A_155 = arith.select %lt3A_100, %sub3A_33, %broadcast_in_dim3A_154 : vector<1x2048xi1>, vector<1x2048xf32>
    %iota3A_156 = tpu.iota {dimensions = array<i32: 0>} : vector<320x1xi32>
    %add3A_157 = arith.constant 0 : i32
    %add3A_158 = vector.broadcast %add3A_157 : i32 to vector<320x1xi32>
    %add3A_159 = arith.addi %iota3A_156, %add3A_158 : vector<320x1xi32>
    %get3A_160 = arith.constant 0 : index
    %get3A_161 = arith.constant 0 : index
    %get3A_162 = vector.load %arg2[%get3A_160, %get3A_161] : memref<1x2048xi32, #tpu.memory_space<vmem>>, vector<1x2048xi32>
    %eq3A_163 = vector.broadcast %add3A_159 : vector<320x1xi32> to vector<320x2048xi32>
    %eq3A_164 = vector.broadcast %get3A_162 : vector<1x2048xi32> to vector<320x2048xi32>
    %eq3A_165 = arith.cmpi eq, %eq3A_163, %eq3A_164 : vector<320x2048xi32>
    %get3A_166 = arith.constant 0 : index
    %get3A_167 = arith.constant 0 : index
    %get3A_168 = vector.load %arg3[%get3A_166, %get3A_167] : memref<1x2048xi32, #tpu.memory_space<vmem>>, vector<1x2048xi32>
    %eq3A_169 = vector.broadcast %add3A_159 : vector<320x1xi32> to vector<320x2048xi32>
    %eq3A_170 = vector.broadcast %get3A_168 : vector<1x2048xi32> to vector<320x2048xi32>
    %eq3A_171 = arith.cmpi eq, %eq3A_169, %eq3A_170 : vector<320x2048xi32>
    %jit3A_172 = arith.constant 0.000000e+00 : f32
    %broadcast_in_dim3A_173 = vector.shape_cast %select_n3A_152 : vector<1x2048xf32> to vector<1x2048xf32>
    %broadcast_in_dim3A_174 = vector.broadcast %broadcast_in_dim3A_173 : vector<1x2048xf32> to vector<320x2048xf32>
    %broadcast_in_dim3A_175 = vector.broadcast %jit3A_172 : f32 to vector<320x2048xf32>
    %select_n3A_176 = arith.select %eq3A_165, %broadcast_in_dim3A_174, %broadcast_in_dim3A_175 : vector<320x2048xi1>, vector<320x2048xf32>
    %jit3A_177 = arith.constant 0.000000e+00 : f32
    %broadcast_in_dim3A_178 = vector.shape_cast %select_n3A_155 : vector<1x2048xf32> to vector<1x2048xf32>
    %broadcast_in_dim3A_179 = vector.broadcast %broadcast_in_dim3A_178 : vector<1x2048xf32> to vector<320x2048xf32>
    %broadcast_in_dim3A_180 = vector.broadcast %jit3A_177 : f32 to vector<320x2048xf32>
    %select_n3A_181 = arith.select %eq3A_171, %broadcast_in_dim3A_179, %broadcast_in_dim3A_180 : vector<320x2048xi1>, vector<320x2048xf32>
    %add3A_182 = arith.addf %select_n3A_176, %select_n3A_181 : vector<320x2048xf32>
    %reduce_sum3A_183 = arith.constant dense<0.000000e+00> : vector<320xf32>
    %reduce_sum3A_184 = vector.multi_reduction <add>, %add3A_182, %reduce_sum3A_183 [1] : vector<320x2048xf32> to vector<320xf32>
    %broadcast_in_dim3A_185 = vector.shape_cast %reduce_sum3A_184 : vector<320xf32> to vector<320x1xf32>
    %swap3A_186 = arith.constant 0 : index
    %swap3A_187 = arith.constant 0 : index
    %swap3A_188 = vector.load %arg4[%swap3A_186, %swap3A_187] : memref<2560x1xf32, #tpu.memory_space<vmem>>, vector<320x1xf32>
    tpu.vector_store %arg4[%swap3A_186, %swap3A_187], %broadcast_in_dim3A_185 {strides = array<i32>} : memref<2560x1xf32, #tpu.memory_space<vmem>>, vector<320x1xf32>,
    %add3A_189 = arith.constant 320 : i32
    %add3A_190 = vector.broadcast %add3A_189 : i32 to vector<320x1xi32>
    %add3A_191 = arith.addi %iota3A_156, %add3A_190 : vector<320x1xi32>
    %get3A_192 = arith.constant 0 : index
    %get3A_193 = arith.constant 0 : index
    %get3A_194 = vector.load %arg2[%get3A_192, %get3A_193] : memref<1x2048xi32, #tpu.memory_space<vmem>>, vector<1x2048xi32>
    %eq3A_195 = vector.broadcast %add3A_191 : vector<320x1xi32> to vector<320x2048xi32>
    %eq3A_196 = vector.broadcast %get3A_194 : vector<1x2048xi32> to vector<320x2048xi32>
    %eq3A_197 = arith.cmpi eq, %eq3A_195, %eq3A_196 : vector<320x2048xi32>
    %get3A_198 = arith.constant 0 : index
    %get3A_199 = arith.constant 0 : index
    %get3A_200 = vector.load %arg3[%get3A_198, %get3A_199] : memref<1x2048xi32, #tpu.memory_space<vmem>>, vector<1x2048xi32>
    %eq3A_201 = vector.broadcast %add3A_191 : vector<320x1xi32> to vector<320x2048xi32>
    %eq3A_202 = vector.broadcast %get3A_200 : vector<1x2048xi32> to vector<320x2048xi32>
    %eq3A_203 = arith.cmpi eq, %eq3A_201, %eq3A_202 : vector<320x2048xi32>
    %jit3A_204 = arith.constant 0.000000e+00 : f32
    %broadcast_in_dim3A_205 = vector.shape_cast %select_n3A_152 : vector<1x2048xf32> to vector<1x2048xf32>
    %broadcast_in_dim3A_206 = vector.broadcast %broadcast_in_dim3A_205 : vector<1x2048xf32> to vector<320x2048xf32>
    %broadcast_in_dim3A_207 = vector.broadcast %jit3A_204 : f32 to vector<320x2048xf32>
    %select_n3A_208 = arith.select %eq3A_197, %broadcast_in_dim3A_206, %broadcast_in_dim3A_207 : vector<320x2048xi1>, vector<320x2048xf32>
    %jit3A_209 = arith.constant 0.000000e+00 : f32
    %broadcast_in_dim3A_210 = vector.shape_cast %select_n3A_155 : vector<1x2048xf32> to vector<1x2048xf32>
    %broadcast_in_dim3A_211 = vector.broadcast %broadcast_in_dim3A_210 : vector<1x2048xf32> to vector<320x2048xf32>
    %broadcast_in_dim3A_212 = vector.broadcast %jit3A_209 : f32 to vector<320x2048xf32>
    %select_n3A_213 = arith.select %eq3A_203, %broadcast_in_dim3A_211, %broadcast_in_dim3A_212 : vector<320x2048xi1>, vector<320x2048xf32>
    %add3A_214 = arith.addf %select_n3A_208, %select_n3A_213 : vector<320x2048xf32>
    %reduce_sum3A_215 = arith.constant dense<0.000000e+00> : vector<320xf32>
    %reduce_sum3A_216 = vector.multi_reduction <add>, %add3A_214, %reduce_sum3A_215 [1] : vector<320x2048xf32> to vector<320xf32>
    %broadcast_in_dim3A_217 = vector.shape_cast %reduce_sum3A_216 : vector<320xf32> to vector<320x1xf32>
    %swap3A_218 = arith.constant 320 : index
    %swap3A_219 = arith.constant 0 : index
    %swap3A_220 = vector.load %arg4[%swap3A_218, %swap3A_219] : memref<2560x1xf32, #tpu.memory_space<vmem>>, vector<320x1xf32>
    tpu.vector_store %arg4[%swap3A_218, %swap3A_219], %broadcast_in_dim3A_217 {strides = array<i32>} : memref<2560x1xf32, #tpu.memory_space<vmem>>, vector<320x1xf32>,
    %add3A_221 = arith.constant 640 : i32
    %add3A_222 = vector.broadcast %add3A_221 : i32 to vector<320x1xi32>
    %add3A_223 = arith.addi %iota3A_156, %add3A_222 : vector<320x1xi32>
    %get3A_224 = arith.constant 0 : index
    %get3A_225 = arith.constant 0 : index
    %get3A_226 = vector.load %arg2[%get3A_224, %get3A_225] : memref<1x2048xi32, #tpu.memory_space<vmem>>, vector<1x2048xi32>
    %eq3A_227 = vector.broadcast %add3A_223 : vector<320x1xi32> to vector<320x2048xi32>
    %eq3A_228 = vector.broadcast %get3A_226 : vector<1x2048xi32> to vector<320x2048xi32>
    %eq3A_229 = arith.cmpi eq, %eq3A_227, %eq3A_228 : vector<320x2048xi32>
    %get3A_230 = arith.constant 0 : index
    %get3A_231 = arith.constant 0 : index
    %get3A_232 = vector.load %arg3[%get3A_230, %get3A_231] : memref<1x2048xi32, #tpu.memory_space<vmem>>, vector<1x2048xi32>
    %eq3A_233 = vector.broadcast %add3A_223 : vector<320x1xi32> to vector<320x2048xi32>
    %eq3A_234 = vector.broadcast %get3A_232 : vector<1x2048xi32> to vector<320x2048xi32>
    %eq3A_235 = arith.cmpi eq, %eq3A_233, %eq3A_234 : vector<320x2048xi32>
    %jit3A_236 = arith.constant 0.000000e+00 : f32
    %broadcast_in_dim3A_237 = vector.shape_cast %select_n3A_152 : vector<1x2048xf32> to vector<1x2048xf32>
    %broadcast_in_dim3A_238 = vector.broadcast %broadcast_in_dim3A_237 : vector<1x2048xf32> to vector<320x2048xf32>
    %broadcast_in_dim3A_239 = vector.broadcast %jit3A_236 : f32 to vector<320x2048xf32>
    %select_n3A_240 = arith.select %eq3A_229, %broadcast_in_dim3A_238, %broadcast_in_dim3A_239 : vector<320x2048xi1>, vector<320x2048xf32>
    %jit3A_241 = arith.constant 0.000000e+00 : f32
    %broadcast_in_dim3A_242 = vector.shape_cast %select_n3A_155 : vector<1x2048xf32> to vector<1x2048xf32>
    %broadcast_in_dim3A_243 = vector.broadcast %broadcast_in_dim3A_242 : vector<1x2048xf32> to vector<320x2048xf32>
    %broadcast_in_dim3A_244 = vector.broadcast %jit3A_241 : f32 to vector<320x2048xf32>
    %select_n3A_245 = arith.select %eq3A_235, %broadcast_in_dim3A_243, %broadcast_in_dim3A_244 : vector<320x2048xi1>, vector<320x2048xf32>
    %add3A_246 = arith.addf %select_n3A_240, %select_n3A_245 : vector<320x2048xf32>
    %reduce_sum3A_247 = arith.constant dense<0.000000e+00> : vector<320xf32>
    %reduce_sum3A_248 = vector.multi_reduction <add>, %add3A_246, %reduce_sum3A_247 [1] : vector<320x2048xf32> to vector<320xf32>
    %broadcast_in_dim3A_249 = vector.shape_cast %reduce_sum3A_248 : vector<320xf32> to vector<320x1xf32>
    %swap3A_250 = arith.constant 640 : index
    %swap3A_251 = arith.constant 0 : index
    %swap3A_252 = vector.load %arg4[%swap3A_250, %swap3A_251] : memref<2560x1xf32, #tpu.memory_space<vmem>>, vector<320x1xf32>
    tpu.vector_store %arg4[%swap3A_250, %swap3A_251], %broadcast_in_dim3A_249 {strides = array<i32>} : memref<2560x1xf32, #tpu.memory_space<vmem>>, vector<320x1xf32>,
    %add3A_253 = arith.constant 960 : i32
    %add3A_254 = vector.broadcast %add3A_253 : i32 to vector<320x1xi32>
    %add3A_255 = arith.addi %iota3A_156, %add3A_254 : vector<320x1xi32>
    %get3A_256 = arith.constant 0 : index
    %get3A_257 = arith.constant 0 : index
    %get3A_258 = vector.load %arg2[%get3A_256, %get3A_257] : memref<1x2048xi32, #tpu.memory_space<vmem>>, vector<1x2048xi32>
    %eq3A_259 = vector.broadcast %add3A_255 : vector<320x1xi32> to vector<320x2048xi32>
    %eq3A_260 = vector.broadcast %get3A_258 : vector<1x2048xi32> to vector<320x2048xi32>
    %eq3A_261 = arith.cmpi eq, %eq3A_259, %eq3A_260 : vector<320x2048xi32>
    %get3A_262 = arith.constant 0 : index
    %get3A_263 = arith.constant 0 : index
    %get3A_264 = vector.load %arg3[%get3A_262, %get3A_263] : memref<1x2048xi32, #tpu.memory_space<vmem>>, vector<1x2048xi32>
    %eq3A_265 = vector.broadcast %add3A_255 : vector<320x1xi32> to vector<320x2048xi32>
    %eq3A_266 = vector.broadcast %get3A_264 : vector<1x2048xi32> to vector<320x2048xi32>
    %eq3A_267 = arith.cmpi eq, %eq3A_265, %eq3A_266 : vector<320x2048xi32>
    %jit3A_268 = arith.constant 0.000000e+00 : f32
    %broadcast_in_dim3A_269 = vector.shape_cast %select_n3A_152 : vector<1x2048xf32> to vector<1x2048xf32>
    %broadcast_in_dim3A_270 = vector.broadcast %broadcast_in_dim3A_269 : vector<1x2048xf32> to vector<320x2048xf32>
    %broadcast_in_dim3A_271 = vector.broadcast %jit3A_268 : f32 to vector<320x2048xf32>
    %select_n3A_272 = arith.select %eq3A_261, %broadcast_in_dim3A_270, %broadcast_in_dim3A_271 : vector<320x2048xi1>, vector<320x2048xf32>
    %jit3A_273 = arith.constant 0.000000e+00 : f32
    %broadcast_in_dim3A_274 = vector.shape_cast %select_n3A_155 : vector<1x2048xf32> to vector<1x2048xf32>
    %broadcast_in_dim3A_275 = vector.broadcast %broadcast_in_dim3A_274 : vector<1x2048xf32> to vector<320x2048xf32>
    %broadcast_in_dim3A_276 = vector.broadcast %jit3A_273 : f32 to vector<320x2048xf32>
    %select_n3A_277 = arith.select %eq3A_267, %broadcast_in_dim3A_275, %broadcast_in_dim3A_276 : vector<320x2048xi1>, vector<320x2048xf32>
    %add3A_278 = arith.addf %select_n3A_272, %select_n3A_277 : vector<320x2048xf32>
    %reduce_sum3A_279 = arith.constant dense<0.000000e+00> : vector<320xf32>
    %reduce_sum3A_280 = vector.multi_reduction <add>, %add3A_278, %reduce_sum3A_279 [1] : vector<320x2048xf32> to vector<320xf32>
    %broadcast_in_dim3A_281 = vector.shape_cast %reduce_sum3A_280 : vector<320xf32> to vector<320x1xf32>
    %swap3A_282 = arith.constant 960 : index
    %swap3A_283 = arith.constant 0 : index
    %swap3A_284 = vector.load %arg4[%swap3A_282, %swap3A_283] : memref<2560x1xf32, #tpu.memory_space<vmem>>, vector<320x1xf32>
    tpu.vector_store %arg4[%swap3A_282, %swap3A_283], %broadcast_in_dim3A_281 {strides = array<i32>} : memref<2560x1xf32, #tpu.memory_space<vmem>>, vector<320x1xf32>,
    %add3A_285 = arith.constant 1280 : i32
    %add3A_286 = vector.broadcast %add3A_285 : i32 to vector<320x1xi32>
    %add3A_287 = arith.addi %iota3A_156, %add3A_286 : vector<320x1xi32>
    %get3A_288 = arith.constant 0 : index
    %get3A_289 = arith.constant 0 : index
    %get3A_290 = vector.load %arg2[%get3A_288, %get3A_289] : memref<1x2048xi32, #tpu.memory_space<vmem>>, vector<1x2048xi32>
    %eq3A_291 = vector.broadcast %add3A_287 : vector<320x1xi32> to vector<320x2048xi32>
    %eq3A_292 = vector.broadcast %get3A_290 : vector<1x2048xi32> to vector<320x2048xi32>
    %eq3A_293 = arith.cmpi eq, %eq3A_291, %eq3A_292 : vector<320x2048xi32>
    %get3A_294 = arith.constant 0 : index
    %get3A_295 = arith.constant 0 : index
    %get3A_296 = vector.load %arg3[%get3A_294, %get3A_295] : memref<1x2048xi32, #tpu.memory_space<vmem>>, vector<1x2048xi32>
    %eq3A_297 = vector.broadcast %add3A_287 : vector<320x1xi32> to vector<320x2048xi32>
    %eq3A_298 = vector.broadcast %get3A_296 : vector<1x2048xi32> to vector<320x2048xi32>
    %eq3A_299 = arith.cmpi eq, %eq3A_297, %eq3A_298 : vector<320x2048xi32>
    %jit3A_300 = arith.constant 0.000000e+00 : f32
    %broadcast_in_dim3A_301 = vector.shape_cast %select_n3A_152 : vector<1x2048xf32> to vector<1x2048xf32>
    %broadcast_in_dim3A_302 = vector.broadcast %broadcast_in_dim3A_301 : vector<1x2048xf32> to vector<320x2048xf32>
    %broadcast_in_dim3A_303 = vector.broadcast %jit3A_300 : f32 to vector<320x2048xf32>
    %select_n3A_304 = arith.select %eq3A_293, %broadcast_in_dim3A_302, %broadcast_in_dim3A_303 : vector<320x2048xi1>, vector<320x2048xf32>
    %jit3A_305 = arith.constant 0.000000e+00 : f32
    %broadcast_in_dim3A_306 = vector.shape_cast %select_n3A_155 : vector<1x2048xf32> to vector<1x2048xf32>
    %broadcast_in_dim3A_307 = vector.broadcast %broadcast_in_dim3A_306 : vector<1x2048xf32> to vector<320x2048xf32>
    %broadcast_in_dim3A_308 = vector.broadcast %jit3A_305 : f32 to vector<320x2048xf32>
    %select_n3A_309 = arith.select %eq3A_299, %broadcast_in_dim3A_307, %broadcast_in_dim3A_308 : vector<320x2048xi1>, vector<320x2048xf32>
    %add3A_310 = arith.addf %select_n3A_304, %select_n3A_309 : vector<320x2048xf32>
    %reduce_sum3A_311 = arith.constant dense<0.000000e+00> : vector<320xf32>
    %reduce_sum3A_312 = vector.multi_reduction <add>, %add3A_310, %reduce_sum3A_311 [1] : vector<320x2048xf32> to vector<320xf32>
    %broadcast_in_dim3A_313 = vector.shape_cast %reduce_sum3A_312 : vector<320xf32> to vector<320x1xf32>
    %swap3A_314 = arith.constant 1280 : index
    %swap3A_315 = arith.constant 0 : index
    %swap3A_316 = vector.load %arg4[%swap3A_314, %swap3A_315] : memref<2560x1xf32, #tpu.memory_space<vmem>>, vector<320x1xf32>
    tpu.vector_store %arg4[%swap3A_314, %swap3A_315], %broadcast_in_dim3A_313 {strides = array<i32>} : memref<2560x1xf32, #tpu.memory_space<vmem>>, vector<320x1xf32>,
    %add3A_317 = arith.constant 1600 : i32
    %add3A_318 = vector.broadcast %add3A_317 : i32 to vector<320x1xi32>
    %add3A_319 = arith.addi %iota3A_156, %add3A_318 : vector<320x1xi32>
    %get3A_320 = arith.constant 0 : index
    %get3A_321 = arith.constant 0 : index
    %get3A_322 = vector.load %arg2[%get3A_320, %get3A_321] : memref<1x2048xi32, #tpu.memory_space<vmem>>, vector<1x2048xi32>
    %eq3A_323 = vector.broadcast %add3A_319 : vector<320x1xi32> to vector<320x2048xi32>
    %eq3A_324 = vector.broadcast %get3A_322 : vector<1x2048xi32> to vector<320x2048xi32>
    %eq3A_325 = arith.cmpi eq, %eq3A_323, %eq3A_324 : vector<320x2048xi32>
    %get3A_326 = arith.constant 0 : index
    %get3A_327 = arith.constant 0 : index
    %get3A_328 = vector.load %arg3[%get3A_326, %get3A_327] : memref<1x2048xi32, #tpu.memory_space<vmem>>, vector<1x2048xi32>
    %eq3A_329 = vector.broadcast %add3A_319 : vector<320x1xi32> to vector<320x2048xi32>
    %eq3A_330 = vector.broadcast %get3A_328 : vector<1x2048xi32> to vector<320x2048xi32>
    %eq3A_331 = arith.cmpi eq, %eq3A_329, %eq3A_330 : vector<320x2048xi32>
    %jit3A_332 = arith.constant 0.000000e+00 : f32
    %broadcast_in_dim3A_333 = vector.shape_cast %select_n3A_152 : vector<1x2048xf32> to vector<1x2048xf32>
    %broadcast_in_dim3A_334 = vector.broadcast %broadcast_in_dim3A_333 : vector<1x2048xf32> to vector<320x2048xf32>
    %broadcast_in_dim3A_335 = vector.broadcast %jit3A_332 : f32 to vector<320x2048xf32>
    %select_n3A_336 = arith.select %eq3A_325, %broadcast_in_dim3A_334, %broadcast_in_dim3A_335 : vector<320x2048xi1>, vector<320x2048xf32>
    %jit3A_337 = arith.constant 0.000000e+00 : f32
    %broadcast_in_dim3A_338 = vector.shape_cast %select_n3A_155 : vector<1x2048xf32> to vector<1x2048xf32>
    %broadcast_in_dim3A_339 = vector.broadcast %broadcast_in_dim3A_338 : vector<1x2048xf32> to vector<320x2048xf32>
    %broadcast_in_dim3A_340 = vector.broadcast %jit3A_337 : f32 to vector<320x2048xf32>
    %select_n3A_341 = arith.select %eq3A_331, %broadcast_in_dim3A_339, %broadcast_in_dim3A_340 : vector<320x2048xi1>, vector<320x2048xf32>
    %add3A_342 = arith.addf %select_n3A_336, %select_n3A_341 : vector<320x2048xf32>
    %reduce_sum3A_343 = arith.constant dense<0.000000e+00> : vector<320xf32>
    %reduce_sum3A_344 = vector.multi_reduction <add>, %add3A_342, %reduce_sum3A_343 [1] : vector<320x2048xf32> to vector<320xf32>
    %broadcast_in_dim3A_345 = vector.shape_cast %reduce_sum3A_344 : vector<320xf32> to vector<320x1xf32>
    %swap3A_346 = arith.constant 1600 : index
    %swap3A_347 = arith.constant 0 : index
    %swap3A_348 = vector.load %arg4[%swap3A_346, %swap3A_347] : memref<2560x1xf32, #tpu.memory_space<vmem>>, vector<320x1xf32>
    tpu.vector_store %arg4[%swap3A_346, %swap3A_347], %broadcast_in_dim3A_345 {strides = array<i32>} : memref<2560x1xf32, #tpu.memory_space<vmem>>, vector<320x1xf32>,
    %add3A_349 = arith.constant 1920 : i32
    %add3A_350 = vector.broadcast %add3A_349 : i32 to vector<320x1xi32>
    %add3A_351 = arith.addi %iota3A_156, %add3A_350 : vector<320x1xi32>
    %get3A_352 = arith.constant 0 : index
    %get3A_353 = arith.constant 0 : index
    %get3A_354 = vector.load %arg2[%get3A_352, %get3A_353] : memref<1x2048xi32, #tpu.memory_space<vmem>>, vector<1x2048xi32>
    %eq3A_355 = vector.broadcast %add3A_351 : vector<320x1xi32> to vector<320x2048xi32>
    %eq3A_356 = vector.broadcast %get3A_354 : vector<1x2048xi32> to vector<320x2048xi32>
    %eq3A_357 = arith.cmpi eq, %eq3A_355, %eq3A_356 : vector<320x2048xi32>
    %get3A_358 = arith.constant 0 : index
    %get3A_359 = arith.constant 0 : index
    %get3A_360 = vector.load %arg3[%get3A_358, %get3A_359] : memref<1x2048xi32, #tpu.memory_space<vmem>>, vector<1x2048xi32>
    %eq3A_361 = vector.broadcast %add3A_351 : vector<320x1xi32> to vector<320x2048xi32>
    %eq3A_362 = vector.broadcast %get3A_360 : vector<1x2048xi32> to vector<320x2048xi32>
    %eq3A_363 = arith.cmpi eq, %eq3A_361, %eq3A_362 : vector<320x2048xi32>
    %jit3A_364 = arith.constant 0.000000e+00 : f32
    %broadcast_in_dim3A_365 = vector.shape_cast %select_n3A_152 : vector<1x2048xf32> to vector<1x2048xf32>
    %broadcast_in_dim3A_366 = vector.broadcast %broadcast_in_dim3A_365 : vector<1x2048xf32> to vector<320x2048xf32>
    %broadcast_in_dim3A_367 = vector.broadcast %jit3A_364 : f32 to vector<320x2048xf32>
    %select_n3A_368 = arith.select %eq3A_357, %broadcast_in_dim3A_366, %broadcast_in_dim3A_367 : vector<320x2048xi1>, vector<320x2048xf32>
    %jit3A_369 = arith.constant 0.000000e+00 : f32
    %broadcast_in_dim3A_370 = vector.shape_cast %select_n3A_155 : vector<1x2048xf32> to vector<1x2048xf32>
    %broadcast_in_dim3A_371 = vector.broadcast %broadcast_in_dim3A_370 : vector<1x2048xf32> to vector<320x2048xf32>
    %broadcast_in_dim3A_372 = vector.broadcast %jit3A_369 : f32 to vector<320x2048xf32>
    %select_n3A_373 = arith.select %eq3A_363, %broadcast_in_dim3A_371, %broadcast_in_dim3A_372 : vector<320x2048xi1>, vector<320x2048xf32>
    %add3A_374 = arith.addf %select_n3A_368, %select_n3A_373 : vector<320x2048xf32>
    %reduce_sum3A_375 = arith.constant dense<0.000000e+00> : vector<320xf32>
    %reduce_sum3A_376 = vector.multi_reduction <add>, %add3A_374, %reduce_sum3A_375 [1] : vector<320x2048xf32> to vector<320xf32>
    %broadcast_in_dim3A_377 = vector.shape_cast %reduce_sum3A_376 : vector<320xf32> to vector<320x1xf32>
    %swap3A_378 = arith.constant 1920 : index
    %swap3A_379 = arith.constant 0 : index
    %swap3A_380 = vector.load %arg4[%swap3A_378, %swap3A_379] : memref<2560x1xf32, #tpu.memory_space<vmem>>, vector<320x1xf32>
    tpu.vector_store %arg4[%swap3A_378, %swap3A_379], %broadcast_in_dim3A_377 {strides = array<i32>} : memref<2560x1xf32, #tpu.memory_space<vmem>>, vector<320x1xf32>,
    %add3A_381 = arith.constant 2240 : i32
    %add3A_382 = vector.broadcast %add3A_381 : i32 to vector<320x1xi32>
    %add3A_383 = arith.addi %iota3A_156, %add3A_382 : vector<320x1xi32>
    %get3A_384 = arith.constant 0 : index
    %get3A_385 = arith.constant 0 : index
    %get3A_386 = vector.load %arg2[%get3A_384, %get3A_385] : memref<1x2048xi32, #tpu.memory_space<vmem>>, vector<1x2048xi32>
    %eq3A_387 = vector.broadcast %add3A_383 : vector<320x1xi32> to vector<320x2048xi32>
    %eq3A_388 = vector.broadcast %get3A_386 : vector<1x2048xi32> to vector<320x2048xi32>
    %eq3A_389 = arith.cmpi eq, %eq3A_387, %eq3A_388 : vector<320x2048xi32>
    %get3A_390 = arith.constant 0 : index
    %get3A_391 = arith.constant 0 : index
    %get3A_392 = vector.load %arg3[%get3A_390, %get3A_391] : memref<1x2048xi32, #tpu.memory_space<vmem>>, vector<1x2048xi32>
    %eq3A_393 = vector.broadcast %add3A_383 : vector<320x1xi32> to vector<320x2048xi32>
    %eq3A_394 = vector.broadcast %get3A_392 : vector<1x2048xi32> to vector<320x2048xi32>
    %eq3A_395 = arith.cmpi eq, %eq3A_393, %eq3A_394 : vector<320x2048xi32>
    %jit3A_396 = arith.constant 0.000000e+00 : f32
    %broadcast_in_dim3A_397 = vector.shape_cast %select_n3A_152 : vector<1x2048xf32> to vector<1x2048xf32>
    %broadcast_in_dim3A_398 = vector.broadcast %broadcast_in_dim3A_397 : vector<1x2048xf32> to vector<320x2048xf32>
    %broadcast_in_dim3A_399 = vector.broadcast %jit3A_396 : f32 to vector<320x2048xf32>
    %select_n3A_400 = arith.select %eq3A_389, %broadcast_in_dim3A_398, %broadcast_in_dim3A_399 : vector<320x2048xi1>, vector<320x2048xf32>
    %jit3A_401 = arith.constant 0.000000e+00 : f32
    %broadcast_in_dim3A_402 = vector.shape_cast %select_n3A_155 : vector<1x2048xf32> to vector<1x2048xf32>
    %broadcast_in_dim3A_403 = vector.broadcast %broadcast_in_dim3A_402 : vector<1x2048xf32> to vector<320x2048xf32>
    %broadcast_in_dim3A_404 = vector.broadcast %jit3A_401 : f32 to vector<320x2048xf32>
    %select_n3A_405 = arith.select %eq3A_395, %broadcast_in_dim3A_403, %broadcast_in_dim3A_404 : vector<320x2048xi1>, vector<320x2048xf32>
    %add3A_406 = arith.addf %select_n3A_400, %select_n3A_405 : vector<320x2048xf32>
    %reduce_sum3A_407 = arith.constant dense<0.000000e+00> : vector<320xf32>
    %reduce_sum3A_408 = vector.multi_reduction <add>, %add3A_406, %reduce_sum3A_407 [1] : vector<320x2048xf32> to vector<320xf32>
    %broadcast_in_dim3A_409 = vector.shape_cast %reduce_sum3A_408 : vector<320xf32> to vector<320x1xf32>
    %swap3A_410 = arith.constant 2240 : index
    %swap3A_411 = arith.constant 0 : index
    %swap3A_412 = vector.load %arg4[%swap3A_410, %swap3A_411] : memref<2560x1xf32, #tpu.memory_space<vmem>>, vector<320x1xf32>
    tpu.vector_store %arg4[%swap3A_410, %swap3A_411], %broadcast_in_dim3A_409 {strides = array<i32>} : memref<2560x1xf32, #tpu.memory_space<vmem>>, vector<320x1xf32>,
    return
  }
}

module attributes {stable_mosaic.version = 14 : i64} {
  func.func @_ffn_body(%arg0: i32, %arg1: i32, %arg2: memref<320x768xf32, #tpu.memory_space<vmem>>, %arg3: memref<1x768x768xf32, #tpu.memory_space<vmem>>, %arg4: memref<1x768x768xf32, #tpu.memory_space<vmem>>, %arg5: memref<1x768x768xf32, #tpu.memory_space<vmem>>, %arg6: memref<320x1xf32, #tpu.memory_space<vmem>>, %arg7: memref<2048x1xi32, #tpu.memory_space<vmem>>, %arg8: memref<2048x1xi32, #tpu.memory_space<vmem>>, %arg9: memref<2048x768xf32, #tpu.memory_space<vmem>>, %arg10: memref<320x768xf32, #tpu.memory_space<vmem>>) attributes {dimension_semantics = [#tpu.dimension_semantics<arbitrary>, #tpu.dimension_semantics<arbitrary>], iteration_bounds = array<i64: 8, 4>, scalar_prefetch = 0 : i64, scratch_operands = 1 : i64, tpu.core_type = #tpu.core_type<tc>, window_params = [{transform_indices = @transform_0, window_bounds = array<i64: 320, 768>}, {transform_indices = @transform_1, window_bounds = array<i64: 1, 768, 768>}, {transform_indices = @transform_2, window_bounds = array<i64: 1, 768, 768>}, {transform_indices = @transform_3, window_bounds = array<i64: 1, 768, 768>}, {transform_indices = @transform_4, window_bounds = array<i64: 320, 1>}, {pipeline_mode = #tpu.pipeline_mode<synchronous>, transform_indices = @transform_5, window_bounds = array<i64: 2048, 1>}, {pipeline_mode = #tpu.pipeline_mode<synchronous>, transform_indices = @transform_6, window_bounds = array<i64: 2048, 1>}, {pipeline_mode = #tpu.pipeline_mode<synchronous>, transform_indices = @transform_7, window_bounds = array<i64: 2048, 768>}]} {
    %get3A = arith.constant 0 : index
    %get3A_0 = arith.constant 0 : index
    %get3A_1 = vector.load %arg2[%get3A, %get3A_0] : memref<320x768xf32, #tpu.memory_space<vmem>>, vector<320x768xf32>
    %get3A_2 = arith.constant 0 : index
    %get3A_3 = arith.constant 0 : index
    %get3A_4 = arith.constant 0 : index
    %get3A_5 = vector.load %arg3[%get3A_2, %get3A_3, %get3A_4] : memref<1x768x768xf32, #tpu.memory_space<vmem>>, vector<1x768x768xf32>
    %get3A_6 = vector.shape_cast %get3A_5 : vector<1x768x768xf32> to vector<768x768xf32>
    %dot_general3A = arith.constant dense<0.000000e+00> : vector<320x768xf32>
    %dot_general3A_7 = tpu.matmul %get3A_1, %get3A_6, %dot_general3A {dimension_numbers = #tpu.dot_dimension_numbers<[1], [1], [0], [0], [0, 0, 1, 0], [], []>, transpose_lhs_hint = false} : vector<320x768xf32>, vector<768x768xf32>, vector<320x768xf32> -> vector<320x768xf32>
    %get3A_8 = arith.constant 0 : index
    %get3A_9 = arith.constant 0 : index
    %get3A_10 = arith.constant 0 : index
    %get3A_11 = vector.load %arg4[%get3A_8, %get3A_9, %get3A_10] : memref<1x768x768xf32, #tpu.memory_space<vmem>>, vector<1x768x768xf32>
    %get3A_12 = vector.shape_cast %get3A_11 : vector<1x768x768xf32> to vector<768x768xf32>
    %dot_general3A_13 = arith.constant dense<0.000000e+00> : vector<320x768xf32>
    %dot_general3A_14 = tpu.matmul %get3A_1, %get3A_12, %dot_general3A_13 {dimension_numbers = #tpu.dot_dimension_numbers<[1], [1], [0], [0], [0, 0, 1, 0], [], []>, transpose_lhs_hint = false} : vector<320x768xf32>, vector<768x768xf32>, vector<320x768xf32> -> vector<320x768xf32>
    %logistic3A = arith.negf %dot_general3A_7 : vector<320x768xf32>
    %logistic3A_15 = math.exp %logistic3A : vector<320x768xf32>
    %logistic3A_16 = arith.constant 1.000000e+00 : f32
    %logistic3A_17 = vector.broadcast %logistic3A_16 : f32 to vector<320x768xf32>
    %logistic3A_18 = arith.addf %logistic3A_17, %logistic3A_15 : vector<320x768xf32>
    %logistic3A_19 = arith.divf %logistic3A_17, %logistic3A_18 : vector<320x768xf32>
    %mul3A = arith.mulf %dot_general3A_7, %logistic3A_19 : vector<320x768xf32>
    %mul3A_20 = arith.mulf %mul3A, %dot_general3A_14 : vector<320x768xf32>
    %get3A_21 = arith.constant 0 : index
    %get3A_22 = arith.constant 0 : index
    %get3A_23 = arith.constant 0 : index
    %get3A_24 = vector.load %arg5[%get3A_21, %get3A_22, %get3A_23] : memref<1x768x768xf32, #tpu.memory_space<vmem>>, vector<1x768x768xf32>
    %get3A_25 = vector.shape_cast %get3A_24 : vector<1x768x768xf32> to vector<768x768xf32>
    %dot_general3A_26 = arith.constant dense<0.000000e+00> : vector<320x768xf32>
    %dot_general3A_27 = tpu.matmul %mul3A_20, %get3A_25, %dot_general3A_26 {dimension_numbers = #tpu.dot_dimension_numbers<[1], [1], [0], [0], [0, 0, 1, 0], [], []>, transpose_lhs_hint = false} : vector<320x768xf32>, vector<768x768xf32>, vector<320x768xf32> -> vector<320x768xf32>
    %eq3A = arith.constant 0 : i32
    %eq3A_28 = arith.cmpi eq, %arg1, %eq3A : i32
    %convert_element_type3A = arith.extui %eq3A_28 : i1 to i32
    %cond3A = arith.constant 0 : i32
    %cond3A_29 = arith.cmpi ne, %convert_element_type3A, %cond3A : i32
    scf.if %cond3A_29 {
      %swap3A = arith.constant 0 : index
      %swap3A_39 = arith.constant 0 : index
      %swap3A_40 = vector.load %arg10[%swap3A, %swap3A_39] : memref<320x768xf32, #tpu.memory_space<vmem>>, vector<320x768xf32>
      tpu.vector_store %arg10[%swap3A, %swap3A_39], %dot_general3A_27 {strides = array<i32>} : memref<320x768xf32, #tpu.memory_space<vmem>>, vector<320x768xf32>,
    } else {
    }
    %ne3A = arith.constant 0 : i32
    %ne3A_30 = arith.cmpi ne, %arg1, %ne3A : i32
    %convert_element_type3A_31 = arith.extui %ne3A_30 : i1 to i32
    %cond3A_32 = arith.constant 0 : i32
    %cond3A_33 = arith.cmpi ne, %convert_element_type3A_31, %cond3A_32 : i32
    scf.if %cond3A_33 {
      %get3A_39 = arith.constant 0 : index
      %get3A_40 = arith.constant 0 : index
      %get3A_41 = vector.load %arg10[%get3A_39, %get3A_40] : memref<320x768xf32, #tpu.memory_space<vmem>>, vector<320x768xf32>
      %add3A = arith.addf %get3A_41, %dot_general3A_27 : vector<320x768xf32>
      %swap3A = arith.constant 0 : index
      %swap3A_42 = arith.constant 0 : index
      %swap3A_43 = vector.load %arg10[%swap3A, %swap3A_42] : memref<320x768xf32, #tpu.memory_space<vmem>>, vector<320x768xf32>
      tpu.vector_store %arg10[%swap3A, %swap3A_42], %add3A {strides = array<i32>} : memref<320x768xf32, #tpu.memory_space<vmem>>, vector<320x768xf32>,
    } else {
    }
    %eq3A_34 = arith.constant 3 : i32
    %eq3A_35 = arith.cmpi eq, %arg1, %eq3A_34 : i32
    %convert_element_type3A_36 = arith.extui %eq3A_35 : i1 to i32
    %cond3A_37 = arith.constant 0 : i32
    %cond3A_38 = arith.cmpi ne, %convert_element_type3A_36, %cond3A_37 : i32
    scf.if %cond3A_38 {
      %get3A_39 = arith.constant 0 : index
      %get3A_40 = arith.constant 0 : index
      %get3A_41 = vector.load %arg6[%get3A_39, %get3A_40] : memref<320x1xf32, #tpu.memory_space<vmem>>, vector<320x1xf32>
      %ne3A_42 = arith.constant 0.000000e+00 : f32
      %ne3A_43 = vector.broadcast %ne3A_42 : f32 to vector<320x1xf32>
      %ne3A_44 = arith.cmpf one, %get3A_41, %ne3A_43 : vector<320x1xf32>
      %get3A_45 = arith.constant 0 : index
      %get3A_46 = arith.constant 0 : index
      %get3A_47 = vector.load %arg10[%get3A_45, %get3A_46] : memref<320x768xf32, #tpu.memory_space<vmem>>, vector<320x768xf32>
      %mul3A_48 = vector.broadcast %get3A_41 : vector<320x1xf32> to vector<320x768xf32>
      %mul3A_49 = arith.mulf %get3A_47, %mul3A_48 : vector<320x768xf32>
      %jit3A = arith.constant 0.000000e+00 : f32
      %broadcast_in_dim3A = vector.shape_cast %ne3A_44 : vector<320x1xi1> to vector<320x1xi1>
      %broadcast_in_dim3A_50 = vector.broadcast %broadcast_in_dim3A : vector<320x1xi1> to vector<320x768xi1>
      %broadcast_in_dim3A_51 = vector.broadcast %jit3A : f32 to vector<320x768xf32>
      %select_n3A = arith.select %broadcast_in_dim3A_50, %mul3A_49, %broadcast_in_dim3A_51 : vector<320x768xi1>, vector<320x768xf32>
      %convert_element_type3A_52 = arith.truncf %select_n3A : vector<320x768xf32> to vector<320x768xbf16>
      %iota3A = tpu.iota {dimensions = array<i32: 1>} : vector<1x320xi32>
      %mul3A_53 = arith.constant 320 : i32
      %mul3A_54 = arith.muli %arg0, %mul3A_53 : i32
      %add3A = vector.broadcast %mul3A_54 : i32 to vector<1x320xi32>
      %add3A_55 = arith.addi %iota3A, %add3A : vector<1x320xi32>
      %get3A_56 = arith.constant 0 : index
      %get3A_57 = arith.constant 0 : index
      %get3A_58 = vector.load %arg7[%get3A_56, %get3A_57] : memref<2048x1xi32, #tpu.memory_space<vmem>>, vector<2048x1xi32>
      %eq3A_59 = vector.broadcast %get3A_58 : vector<2048x1xi32> to vector<2048x320xi32>
      %eq3A_60 = vector.broadcast %add3A_55 : vector<1x320xi32> to vector<2048x320xi32>
      %eq3A_61 = arith.cmpi eq, %eq3A_59, %eq3A_60 : vector<2048x320xi32>
      %get3A_62 = arith.constant 0 : index
      %get3A_63 = arith.constant 0 : index
      %get3A_64 = vector.load %arg8[%get3A_62, %get3A_63] : memref<2048x1xi32, #tpu.memory_space<vmem>>, vector<2048x1xi32>
      %eq3A_65 = vector.broadcast %get3A_64 : vector<2048x1xi32> to vector<2048x320xi32>
      %eq3A_66 = vector.broadcast %add3A_55 : vector<1x320xi32> to vector<2048x320xi32>
      %eq3A_67 = arith.cmpi eq, %eq3A_65, %eq3A_66 : vector<2048x320xi32>
      %or3A = arith.ori %eq3A_61, %eq3A_67 : vector<2048x320xi1>
      %convert_element_type3A_68 = arith.extui %or3A : vector<2048x320xi1> to vector<2048x320xi32>
      %convert_element_type3A_69 = arith.sitofp %convert_element_type3A_68 : vector<2048x320xi32> to vector<2048x320xf32>
      %convert_element_type3A_70 = arith.truncf %convert_element_type3A_69 : vector<2048x320xf32> to vector<2048x320xbf16>
      %dot_general3A_71 = arith.constant dense<0.000000e+00> : vector<2048x768xf32>
      %dot_general3A_72 = tpu.matmul %convert_element_type3A_70, %convert_element_type3A_52, %dot_general3A_71 {dimension_numbers = #tpu.dot_dimension_numbers<[1], [0], [0], [1], [0, 0, 1, 1], [], []>, transpose_lhs_hint = false} : vector<2048x320xbf16>, vector<320x768xbf16>, vector<2048x768xf32> -> vector<2048x768xf32>
      %eq3A_73 = arith.constant 0 : i32
      %eq3A_74 = arith.cmpi eq, %arg0, %eq3A_73 : i32
      %convert_element_type3A_75 = arith.extui %eq3A_74 : i1 to i32
      %cond3A_76 = arith.constant 0 : i32
      %cond3A_77 = arith.cmpi ne, %convert_element_type3A_75, %cond3A_76 : i32
      scf.if %cond3A_77 {
        %swap3A = arith.constant 0 : index
        %swap3A_83 = arith.constant 0 : index
        %swap3A_84 = vector.load %arg9[%swap3A, %swap3A_83] : memref<2048x768xf32, #tpu.memory_space<vmem>>, vector<2048x768xf32>
        tpu.vector_store %arg9[%swap3A, %swap3A_83], %dot_general3A_72 {strides = array<i32>} : memref<2048x768xf32, #tpu.memory_space<vmem>>, vector<2048x768xf32>,
      } else {
      }
      %ne3A_78 = arith.constant 0 : i32
      %ne3A_79 = arith.cmpi ne, %arg0, %ne3A_78 : i32
      %convert_element_type3A_80 = arith.extui %ne3A_79 : i1 to i32
      %cond3A_81 = arith.constant 0 : i32
      %cond3A_82 = arith.cmpi ne, %convert_element_type3A_80, %cond3A_81 : i32
      scf.if %cond3A_82 {
        %get3A_83 = arith.constant 0 : index
        %get3A_84 = arith.constant 0 : index
        %get3A_85 = vector.load %arg9[%get3A_83, %get3A_84] : memref<2048x768xf32, #tpu.memory_space<vmem>>, vector<2048x768xf32>
        %add3A_86 = arith.addf %get3A_85, %dot_general3A_72 : vector<2048x768xf32>
        %swap3A = arith.constant 0 : index
        %swap3A_87 = arith.constant 0 : index
        %swap3A_88 = vector.load %arg9[%swap3A, %swap3A_87] : memref<2048x768xf32, #tpu.memory_space<vmem>>, vector<2048x768xf32>
        tpu.vector_store %arg9[%swap3A, %swap3A_87], %add3A_86 {strides = array<i32>} : memref<2048x768xf32, #tpu.memory_space<vmem>>, vector<2048x768xf32>,
      } else {
      }
    } else {
    }
    return
  }
  func.func @transform_0(%arg0: i32, %arg1: i32) -> (i32, i32) {
    %c0_i32 = arith.constant 0 : i32
    %c0_i32_0 = arith.constant 0 : i32
    return %arg0, %c0_i32 : i32, i32
  }
  func.func @transform_1(%arg0: i32, %arg1: i32) -> (i32, i32, i32) {
    %c0_i32 = arith.constant 0 : i32
    %c0_i32_0 = arith.constant 0 : i32
    return %arg0, %arg1, %c0_i32 : i32, i32, i32
  }
  func.func @transform_2(%arg0: i32, %arg1: i32) -> (i32, i32, i32) {
    %c0_i32 = arith.constant 0 : i32
    %c0_i32_0 = arith.constant 0 : i32
    return %arg0, %arg1, %c0_i32 : i32, i32, i32
  }
  func.func @transform_3(%arg0: i32, %arg1: i32) -> (i32, i32, i32) {
    %c0_i32 = arith.constant 0 : i32
    %c0_i32_0 = arith.constant 0 : i32
    return %arg0, %c0_i32, %arg1 : i32, i32, i32
  }
  func.func @transform_4(%arg0: i32, %arg1: i32) -> (i32, i32) {
    %c0_i32 = arith.constant 0 : i32
    %c0_i32_0 = arith.constant 0 : i32
    return %arg0, %c0_i32 : i32, i32
  }
  func.func @transform_5(%arg0: i32, %arg1: i32) -> (i32, i32) {
    %c0_i32 = arith.constant 0 : i32
    %c0_i32_0 = arith.constant 0 : i32
    %c0_i32_1 = arith.constant 0 : i32
    return %c0_i32, %c0_i32_0 : i32, i32
  }
  func.func @transform_6(%arg0: i32, %arg1: i32) -> (i32, i32) {
    %c0_i32 = arith.constant 0 : i32
    %c0_i32_0 = arith.constant 0 : i32
    %c0_i32_1 = arith.constant 0 : i32
    return %c0_i32, %c0_i32_0 : i32, i32
  }
  func.func @transform_7(%arg0: i32, %arg1: i32) -> (i32, i32) {
    %c0_i32 = arith.constant 0 : i32
    %c0_i32_0 = arith.constant 0 : i32
    %c0_i32_1 = arith.constant 0 : i32
    return %c0_i32, %c0_i32_0 : i32, i32
  }
}

</mosaic_0001>

<sc_bundles>
// kernel: kernel.5.cloned.1.call-start
scs
__scs_entry_jumppad:
0x0: {  	(pc) =	sbr.rel $0x88, $3  }
0x1: {  	(tag) =	ssettag $0x0;
	lr =	simm.s32 $0x1  }
0x2: {  	[smem:$0x3F9C] =	sst lr;
	_ =	strace $0xD0000000  }
0x3: {  	_ = 	snop  }
0x4: {  	_ = 	snop  }
0x5: {  	_ = 	snop  }
0x6: {  	_ = 	snop  }
0x7: {  	_ = 	snop  }
__scs_overlays_trampoline_lowered:
0x8: {  	[smem:$0x3FAB] =	sst s0  }
0x9: {  	[smem:$0x3FAC] =	sst s1  }
0xa: {  	[smem:$0x3FAD] =	sst s2  }
0xb: {  	[smem:$0x3FAE] =	sst s3  }
0xc: {  	[smem:$0x3FAF] =	sst s4  }
0xd: {  	[smem:$0x3FB0] =	sst s5  }
0xe: {  	[smem:$0x3FB1] =	sst s6  }
0xf: {  	[smem:$0x3FB2] =	sst s7  }
0x10: {  	[smem:$0x3FB3] =	sst s8  }
0x11: {  	[smem:$0x3FB4] =	sst s9;
	s0 =	simm.s32 @!p0 $0x0  }
0x12: {  	s1 =	sld [smem:$0x3F9A];
	s0 =	simm.s32 @p0 $0x1  }
0x13: {  	[smem:$0x3FB5] =	sst s0;
	s0 =	simm.s32 @!p1 $0x0  }
0x14: {  	s2 =	sld [smem:$0x3F99];
	s0 =	simm.s32 @p1 $0x1  }
0x15: {  	[smem:$0x3FB6] =	sst s0;
	s0 =	simm.s32 @!p2 $0x0  }
0x16: {  	s3 =	sld [smem:$0x3FDB];
	s0 =	simm.s32 @p2 $0x1  }
0x17: {  	s4 =	simm.s32 $0x1BF5;
	[smem:$0x3FB8] =	sst s0  }
0x18: {  	s0 =	sld [smem:$0x3F9B];
	_ =	swait.ge [sflag:s4], $0x0  }
0x19: {  	s7 =	sld [smem:$0x3F9C]  }
0x1a: {  	s8 =	sadd.s32 $0xFFFFE003, lr  }
0x1b: {  	s9 =	sadd.s32 $0xFFFFFEF7, lr;
	s5 =	simm.s32 $0xFFFFFFFF;
	p2 =	slt.u32 s8, $0xFFFFF086  }
0x1c: {  	p1 =	slt.u32 s9, $0xF7A;
	s5 =	simm.s32 @!p2 $0x0  }
0x1d: {  	s5 =	simm.s32 @p1 $0x1;
	p0 =	seq.s32 s7, s2  }
0x1e: {  	s7 =	smul.u32 @!p0 $0xF7A, s2;
	p2 =	seq.s32 @!p0 s5, $0x0  }
0x1f: {  	s9 =	smul.u32 $0xF7A, s1;
	s8 =	simm.s32 @!p0 $0x1BF5;
	p2 =	por !p2, p0  }
0x20: {  	[sflag:s8] =	ssyncset.s32 @!p0 $0xFFFFF086;
	s6 =	sadd.s32 @!p0 s3, s7;
	s7 =	simm.s32 @!p0 $0x108  }
0x21: {  	s3 =	sadd.s32 s3, s9;
	s6 =	sadd.s32 @!p0 $0x88, s6;
	s7 =	simm.s32 @p2 $0x1082  }
0x22: {  	[simem:s7], [sflag:s8] =	dma.local @!p0 [hbm:s6], $0xF7A  }
0x23: {  	s9 =	sor.u32 $0xD0000000, s2;
	s6 =	simm.s32 $0x108;
	_ =	swait.ge @!p0 [sflag:s8], $0x0  }
0x24: {  	s3 =	sadd.s32 $0x88, s3;
	s6 =	simm.s32 @!p1 $0x1082;
	[sflag:s4] =	ssyncset.s32 $0xFFFFF086  }
0x25: {  	[simem:s6], [sflag:s4] =	dma.local [hbm:s3], $0xF7A  }
0x26: {  	[smem:$0x3F9C] =	sst s1;
	(tag) =	ssettag s2;
	_ =	strace s9  }
0x27: {  	s1 =	sld [smem:$0x3FAC]  }
0x28: {  	s2 =	sld [smem:$0x3FAD]  }
0x29: {  	s4 =	sld [smem:$0x3FAF]  }
0x2a: {  	p0 =	seq.s32 s5, $0x0;
	s5 =	sld [smem:$0x3FB0]  }
0x2b: {  	s6 =	sld [smem:$0x3FB1]  }
0x2c: {  	s7 =	sld [smem:$0x3FB2]  }
0x2d: {  	s3 =	simm.s32 $0x108;
	s8 =	sld [smem:$0x3FB3]  }
0x2e: {  	s3 =	simm.s32 @!p0 $0x1082;
	s9 =	sld [smem:$0x3FB4]  }
0x2f: {  	lr =	sadd.s32 s0, s3;
	s0 =	sld [smem:$0x3FAB]  }
0x30: {  	s3 =	sld [smem:$0x3FAE]  }
0x31: {  	[smem:$0x3FB7] =	sst s10  }
0x32: {  	s10 =	sld [smem:$0x3FB5];
	_ =	sdelay $0x3  }
0x33: {  	p0 =	seq.s32 s10, $0x1;
	s10 =	sld [smem:$0x3FB7];
	_ =	sdelay $0x3  }
0x34: {  	[smem:$0x3FB7] =	sst s10  }
0x35: {  	s10 =	sld [smem:$0x3FB6];
	_ =	sdelay $0x3  }
0x36: {  	p1 =	seq.s32 s10, $0x1;
	s10 =	sld [smem:$0x3FB7];
	_ =	sdelay $0x3  }
0x37: {  	[smem:$0x3FB7] =	sst s10  }
0x38: {  	s10 =	sld [smem:$0x3FB8]  }
0x39: {  	_ = 	snop;
	(pc) =	sbr.ind lr, $3  }
0x3a: {  	_ = 	snop  }
0x3b: {  	_ = 	snop  }
0x3c: {  	p2 =	seq.s32 s10, $0x1;
	s10 =	sld [smem:$0x3FB7]  }
0x3d: {  	_ =	shalt  }
0x3e: {  	_ =	shalt  }
0x3f: {  	_ =	shalt  }
0x40: {  	_ =	shalt  }
0x41: {  	_ =	shalt  }
0x42: {  	_ =	shalt  }
0x43: {  	_ =	shalt  }
0x44: {  	_ =	shalt  }
0x45: {  	_ =	shalt  }
0x46: {  	_ =	shalt  }
0x47: {  	_ =	shalt  }
0x48: {  	_ =	shalt  }
0x49: {  	_ =	shalt  }
0x4a: {  	_ =	shalt  }
0x4b: {  	_ =	shalt  }
0x4c: {  	_ =	shalt  }
0x4d: {  	_ =	shalt  }
0x4e: {  	_ =	shalt  }
0x4f: {  	_ =	shalt  }
0x50: {  	_ =	shalt  }
0x51: {  	_ =	shalt  }
0x52: {  	_ =	shalt  }
0x53: {  	_ =	shalt  }
0x54: {  	_ =	shalt  }
0x55: {  	_ =	shalt  }
0x56: {  	_ =	shalt  }
0x57: {  	_ =	shalt  }
0x58: {  	_ =	shalt  }
0x59: {  	_ =	shalt  }
0x5a: {  	_ =	shalt  }
0x5b: {  	_ =	shalt  }
0x5c: {  	_ =	shalt  }
0x5d: {  	_ =	shalt  }
0x5e: {  	_ =	shalt  }
0x5f: {  	_ =	shalt  }
0x60: {  	_ =	shalt  }
0x61: {  	_ =	shalt  }
0x62: {  	_ =	shalt  }
0x63: {  	_ =	shalt  }
0x64: {  	_ =	shalt  }
0x65: {  	_ =	shalt  }
0x66: {  	_ =	shalt  }
0x67: {  	_ =	shalt  }
0x68: {  	_ =	shalt  }
0x69: {  	_ =	shalt  }
0x6a: {  	_ =	shalt  }
0x6b: {  	_ =	shalt  }
0x6c: {  	_ =	shalt  }
0x6d: {  	_ =	shalt  }
0x6e: {  	_ =	shalt  }
0x6f: {  	_ =	shalt  }
0x70: {  	_ =	shalt  }
0x71: {  	_ =	shalt  }
0x72: {  	_ =	shalt  }
0x73: {  	_ =	shalt  }
0x74: {  	_ =	shalt  }
0x75: {  	_ =	shalt  }
0x76: {  	_ =	shalt  }
0x77: {  	_ =	shalt  }
0x78: {  	_ =	shalt  }
0x79: {  	_ =	shalt  }
0x7a: {  	_ =	shalt  }
0x7b: {  	_ =	shalt  }
0x7c: {  	_ =	shalt  }
0x7d: {  	_ =	shalt  }
0x7e: {  	_ =	shalt  }
0x7f: {  	_ =	shalt  }
0x80: {  	_ =	shalt  }
0x81: {  	_ =	shalt  }
0x82: {  	_ =	shalt  }
0x83: {  	_ =	shalt  }
0x84: {  	_ =	shalt  }
0x85: {  	_ =	shalt  }
0x86: {  	_ =	shalt  }
0x87: {  	_ =	shalt  }
.Lfunc_end0:
.L_simem_size_0:
called_computation_lowered:
.L_overlay_start_0:
0x88: {  	s2 =	sld [smem:$0x3FD9]  }
0x89: {  	s3 =	sld [smem:$0x3FFE];
	_ =	sdelay $0x1  }
0x8a: {  	s1 =	srdreg.scid  }
0x8b: {  	s0 =	sand.u32 $0x1, s1  }
0x8c: {  	s14 =	sshll.u32 s0, $0xA;
	s2 =	sadd.s32 s3, s2  }
0x8d: {  	s2 =	sadd.s32 s2, s14  }
0x8e: {  	[smem:$0x3FC3] =	sst s2  }
0x8f: {  	_ = 	snop  }
0x90: {  	s2 =	sld [smem:$0x3FD0];
	_ =	sdelay $0x2  }
0x91: {  	s4 =	simm.s32 $0xA;
	s5 =	simm.s32 $0x10;
	s15 =	sld [smem:$0x3FC9]  }
0x92: {  	[smem:s5], [sflag:s4] =	dma.local [hbm:s2], $0x1  }
0x93: {  	_ =	swait.eq [sflag:s4], $0x1  }
0x94: {  	[sflag:s4] =	ssyncset.done $0x0  }
0x95: {  	[sflag:s4] =	ssyncadd.s32 $0xFFFFFFFF  }
0x96: {  	s16 =	sld [smem:$0x10];
	(tm) =	ssettm $0x1  }
0x97: {  	s17 =	sld [smem:$0x3FFB];
	_ =	sdelay $0x3  }
0x98: {  	_ =	strace s17  }
0x99: {  	s4 =	sld [smem:$0x3FFC];
	_ =	sdelay $0x3  }
0x9a: {  	_ =	strace s4  }
0x9b: {  	s4 =	sld [smem:$0x3FFD];
	_ =	sdelay $0x3  }
0x9c: {  	_ =	strace s4  }
0x9d: {  	_ =	strace $0x8FFFFFFF  }
0x9e: {  	s18 =	sld [smem:$0x3FDB];
	_ =	sdelay $0x1  }
0x9f: {  	s19 =	simm.s32 $_scs_section_size  }
0xa0: {  	s6 =	simm.s32 $_size__tile_overlayer_lowered;
	s7 =	simm.s32 $_tile_overlayer_lowered  }
0xa1: {  	s22 =	simm.s32 $0x1BFF;
	s21 =	sshll.u32 s7, $0x1;
	s4 =	sadd.s32 s19, s18  }
0xa2: {  	s8 =	simm.s32 $0x0;
	s20 =	sshll.u32 s6, $0x1;
	s6 =	sadd.s32 s21, s4  }
0xa3: {  	[timem:s8], [sflag:s22] =	dma.local [hbm:s6], s20  }
0xa4: {  	_ =	swait.ge [sflag:s22], s20  }
0xa5: {  	s5 =	ssub.s32 $0x0, s20;
	[sflag:s22] =	ssyncset.done $0x0  }
0xa6: {  	[sflag:s22] =	ssyncadd.s32 s5;
	_ =	sdelay $0x1  }
0xa7: {  	s23 =	simm.s32 $0x1B8B  }
0xa8: {  	_ =	swait.ge [sflag:s23], $0x1  }
0xa9: {  	[sflag:s23] =	ssyncset.done $0x0  }
0xaa: {  	s25 =	simm.s32 $0x1B8E;
	s24 =	sld [smem:$0x3FFE];
	[sflag:s23] =	ssyncadd.s32 $0xFFFFFFFF  }
0xab: {  	s26 =	simm.s32 $execute0_lowered;
	[smem:$0x3FD2] =	sst s25  }
0xac: {  	s6 =	sshll.u32 s26, $0x1;
	_ =	strace $0x80000046;
	[dreg:$0x1] =	wrdreg $0xFFFFFFFF  }
0xad: {  	s28 =	simm.s32 $_size_execute0_lowered;
	s4 =	sadd.s32 s4, s6;
	[dreg:$0x0] =	wrdreg $0x0  }
0xae: {  	s6 =	sshll.u32 s28, $0x1;
	[dreg:$0x2] =	wrdreg s4  }
0xaf: {  	[dreg:$0x3] =	wrdreg s6  }
0xb0: {  	[dreg:$0x4] =	wrdreg $0xC0  }
0xb1: {  	_ =	task [dreg:s8], $0x5FFFF  }
0xb2: {  	[dreg:$0x1] =	wrdreg $0xFFFFFFFF  }
0xb3: {  	[dreg:$0x0] =	wrdreg $0x60  }
0xb4: {  	[dreg:$0x2] =	wrdreg s15  }
0xb5: {  	[dreg:$0x3] =	wrdreg s16  }
0xb6: {  	[dreg:$0x4] =	wrdreg s24  }
0xb7: {  	[dreg:$0x5] =	wrdreg $0x9  }
0xb8: {  	_ =	task.clear_ibuf [dreg:s8], $0x6FFFF;
	_ =	strace $0x90000046  }
0xb9: {  	s29 =	simm.s32 $0x9;
	_ =	strace $0x80000048  }
0xba: {  	_ =	swait.ge [sflag:s29], $0x1  }
0xbb: {  	[sflag:s29] =	ssyncadd.s32 $0xFFFFFFFF  }
0xbc: {  	_ =	strace $0x90000048  }
0xbd: {  	_ =	sfence  }
0xbe: {  	s30 =	sld [smem:$0x0];
	_ =	sdelay $0x2  }
0xbf: {  	s31 =	sshll.u32 s1, $0xD;
	s1 =	sshrl.u32 s1, $0x2  }
0xc0: {  	s3 =	sand.u32 $0x4000, s31;
	s1 =	sadd.s32 s1, s30  }
0xc1: {  	s0 =	sor.u32 s3, s0;
	s1 =	sshll.u32 s1, $0x11  }
0xc2: {  	s0 =	sor.u32 s1, s0  }
0xc3: {  	s0 =	sadd.s32 $0x8F2B, s0  }
0xc4: {  	[sflag:s0] =	ssyncadd.remote.s32 $0x1  }
0xc5: {  	_ =	sfence.sel $0xFFFF  }
0xc6: {  	[dreg:$0x0] =	wrdreg $0xFFFFFFFF;
	(pc) =	sbr.abs _section_cstart, $3  }
0xc7: {  	[dreg:$0x1] =	wrdreg $0xFFFFFFFF  }
0xc8: {  	_ =	task.clear_ibuf [dreg:s8], $0x2FFFF;
	_ =	strace $0x9FFFFFFF  }
0xc9: {  	(tm) =	ssettm $0x7FFFFFFF  }
tec
execute0_lowered:
.L_overlay_start_1:
0x0: {  	(tag) =	ssettag $0x1  }
0x1: {  	s0 =	rddreg [dreg:$0x0]  }
0x2: {  	s1 =	rddreg [dreg:$0x1]  }
0x3: {  	s5 =	rddreg [dreg:$0x2]  }
0x4: {  	s2 =	srdreg.scid;
	s3 =	stileid.u32  }
0x5: {  	s26 =	simm.s32 $0x80;
	s8 =	simm.s32 $0x100;
	s11 =	simm.s32 $0x1900  }
0x6: {  	s12 =	simm.s32 $0x2100;
	s13 =	simm.s32 $0x2900;
	s14 =	simm.s32 $0x3100  }
0x7: {  	s15 =	simm.s32 $0x3900;
	s16 =	simm.s32 $0x4100;
	s17 =	simm.s32 $0x4900  }
0x8: {  	s18 =	simm.s32 $0x5100;
	s19 =	simm.s32 $0x5900;
	s20 =	simm.s32 $0x6100  }
0x9: {  	s21 =	simm.s32 $0x6900;
	s22 =	simm.s32 $0x7100;
	s28 =	simm.s32 $0x9900  }
0xa: {  	s29 =	simm.s32 $0xA100;
	s30 =	simm.s32 $0xA900;
	s31 =	simm.s32 $0xB100  }
0xb: {  	s4 =	sand.u32 $0x1, s2;
	s2 =	simm.s32 $0x0;
	s3 =	sshll.u32 s3, $0x4  }
0xc: {  	s6 =	sshll.u32 s4, $0x3;
	[smem:$0x7FF] =	sst s2;
	s4 =	ssub.s32 $0x2, s4  }
0xd: {  	s6 =	sor.u32 s6, s3;
	_ =	strace $0x80000047;
	s3 =	sadd.s32 $0x1600, s5  }
0xe: {  	s24 =	sshrl.u32 s4, $0x1;
	[dreg:$0x7] =	wrdreg s26;
	s26 =	simm.s32 $0x9100  }
0xf: {  	s7 =	sadd.s32 s6, s5;
	s1 =	sadd.s32 s1, s6;
	s6 =	smul.u32 $0x300, s6  }
0x10: {  	s25 =	ssub.s32 s4, s24;
	s4 =	sadd.s32 $0x1700, s5;
	s5 =	sadd.s32 $0x1800, s5  }
0x11: {  	s24 =	simm.s32 $0x8100;
	[dreg:$0x4] =	wrdreg s1;
	s23 =	sadd.s32 $0x1400, s7  }
0x12: {  	v2 =	vlaneseq.u32;
	s7 =	simm.s32 $0x2;
	s1 =	simm.s32 $0x1;
	[dreg:$0x5] =	wrdreg s23  }
0x13: {  	vm0 =	vmmov $0xffff;
	v1 =	vshrl.u32 v2, $0x3;
	s0 =	sadd.s32 s0, s6;
	s6 =	smax.u32 s25, $0x1;
	s23 =	simm.s32 $0x7900  }
0x14: {  	v0 =	vand.u32 $0x7, v2;
	v2 =	vor.u32 $0x8, v2;
	v1 =	vmul.u32 $0x8, v1;
	s25 =	simm.s32 $0x8900;
	[dreg:$0x6] =	wrdreg s0;
	s0 =	simm.s32 $0xB900  }
.LBB2_1:
0x15: {  	s9 =	rddreg [dreg:$0x4]  }
0x16: {  	[tilespmem:s2], [sflag:$0x2] =	stream.linear.gather [hbm4b:s9+s2], $0x40, $0x38;
	[tilespmem:$0xC100] =	vst v63  }
0x17: {  	_ =	swait.ge [sflag:s7], $0x40  }
0x18: {  	s9 =	rddreg [dreg:$0x5];
	[sflag:s7] =	ssyncset.done $0x0  }
0x19: {  	s10 =	rddreg [dreg:$0x7];
	[sflag:s7] =	ssyncadd.s32 $0xFFFFFFC0  }
0x1a: {  	[tilespmem:s10], [sflag:$0x2] =	stream.linear.gather [hbm4b:s9+s2], $0x40, $0x38;
	[tilespmem:$0xC100] =	vst v63  }
0x1b: {  	_ =	swait.ge [sflag:s7], $0x40  }
0x1c: {  	[sflag:s7] =	ssyncset.done $0x0  }
0x1d: {  	s10 =	rddreg [dreg:$0x6];
	[sflag:s7] =	ssyncadd.s32 $0xFFFFFFC0  }
0x1e: {  	[tilespmem:s8], [sflag:$0x2] =	stream.linear.gather [hbm4b:s10+s2], $0xC000, $0x38;
	[tilespmem:$0xC100] =	vst v63  }
0x1f: {  	_ =	swait.ge [sflag:s7], $0xC000  }
0x20: {  	[sflag:s7] =	ssyncset.done $0x0  }
0x21: {  	[sflag:s7] =	ssyncadd.s32 $0xFFFF4000  }
0x22: {  	v3 =	vld [tilespmem:$0x0];
	_ =	sdelay $0x4  }
0x23: {  	v4 =	vshrl.u32 v3, $0x3  }
0x24: {  	v4 =	vmul.u32 $0x30, v4  }
0x25: {  	v3 =	vand.u32 $0x7, v3  }
0x26: {  	v3 =	vor.u32 v3, v4  }
0x27: {  	v4 =	vperm.xlane v3, v0;
	_ =	sdelay $0x1  }
0x28: {  	v4 =	vadd.s32 v1, v4;
	_ =	sdelay $0x3  }
0x29: {  	v3 =	vperm.xlane v3, v2  }
0x2a: {  	[hbm4b:s3+s2] =	stream.indirect_vreg.scatter [tilespmem:s8], [sflag:$0x1], $0x80, v4, vm0, $0xb8;
	[tilespmem:$0xC100] =	vst v63  }
0x2b: {  	s9 =	simm.s32 $0x900;
	v3 =	vadd.s32 v1, v3  }
0x2c: {  	[hbm4b:s4+s2] =	stream.indirect_vreg.scatter [tilespmem:s9], [sflag:$0x1], $0x80, v4, vm0, $0xb8;
	[tilespmem:$0xC100] =	vst v63  }
0x2d: {  	s10 =	simm.s32 $0x1100  }
0x2e: {  	[hbm4b:s5+s2] =	stream.indirect_vreg.scatter [tilespmem:s10], [sflag:$0x1], $0x80, v4, vm0, $0xb8;
	[tilespmem:$0xC100] =	vst v63  }
0x2f: {  	_ = 	snop  }
0x30: {  	[hbm4b:s3+s2] =	stream.indirect_vreg.scatter [tilespmem:s11], [sflag:$0x1], $0x80, v3, vm0, $0xb8;
	[tilespmem:$0xC100] =	vst v63  }
0x31: {  	_ = 	snop  }
0x32: {  	[hbm4b:s4+s2] =	stream.indirect_vreg.scatter [tilespmem:s12], [sflag:$0x1], $0x80, v3, vm0, $0xb8;
	[tilespmem:$0xC100] =	vst v63  }
0x33: {  	_ = 	snop  }
0x34: {  	[hbm4b:s5+s2] =	stream.indirect_vreg.scatter [tilespmem:s13], [sflag:$0x1], $0x80, v3, vm0, $0xb8;
	[tilespmem:$0xC100] =	vst v63  }
0x35: {  	v3 =	vld [tilespmem:$0x10];
	_ =	sdelay $0x4  }
0x36: {  	v57 =	vshrl.u32 v3, $0x3  }
0x37: {  	v4 =	vmul.u32 $0x30, v57  }
0x38: {  	v3 =	vand.u32 $0x7, v3  }
0x39: {  	v3 =	vor.u32 v3, v4  }
0x3a: {  	v4 =	vperm.xlane v3, v0;
	_ =	sdelay $0x1  }
0x3b: {  	v4 =	vadd.s32 v1, v4;
	_ =	sdelay $0x3  }
0x3c: {  	v3 =	vperm.xlane v3, v2  }
0x3d: {  	[hbm4b:s3+s2] =	stream.indirect_vreg.scatter [tilespmem:s14], [sflag:$0x1], $0x80, v4, vm0, $0xb8;
	[tilespmem:$0xC100] =	vst v63  }
0x3e: {  	v3 =	vadd.s32 v1, v3  }
0x3f: {  	[hbm4b:s4+s2] =	stream.indirect_vreg.scatter [tilespmem:s15], [sflag:$0x1], $0x80, v4, vm0, $0xb8;
	[tilespmem:$0xC100] =	vst v63  }
0x40: {  	_ = 	snop  }
0x41: {  	[hbm4b:s5+s2] =	stream.indirect_vreg.scatter [tilespmem:s16], [sflag:$0x1], $0x80, v4, vm0, $0xb8;
	[tilespmem:$0xC100] =	vst v63  }
0x42: {  	_ = 	snop  }
0x43: {  	[hbm4b:s3+s2] =	stream.indirect_vreg.scatter [tilespmem:s17], [sflag:$0x1], $0x80, v3, vm0, $0xb8;
	[tilespmem:$0xC100] =	vst v63  }
0x44: {  	_ = 	snop  }
0x45: {  	[hbm4b:s4+s2] =	stream.indirect_vreg.scatter [tilespmem:s18], [sflag:$0x1], $0x80, v3, vm0, $0xb8;
	[tilespmem:$0xC100] =	vst v63  }
0x46: {  	_ = 	snop  }
0x47: {  	[hbm4b:s5+s2] =	stream.indirect_vreg.scatter [tilespmem:s19], [sflag:$0x1], $0x80, v3, vm0, $0xb8;
	[tilespmem:$0xC100] =	vst v63  }
0x48: {  	v3 =	vld [tilespmem:$0x20];
	_ =	sdelay $0x4  }
0x49: {  	v58 =	vshrl.u32 v3, $0x3  }
0x4a: {  	v4 =	vmul.u32 $0x30, v58  }
0x4b: {  	v3 =	vand.u32 $0x7, v3  }
0x4c: {  	v3 =	vor.u32 v3, v4  }
0x4d: {  	v4 =	vperm.xlane v3, v0;
	_ =	sdelay $0x1  }
0x4e: {  	v4 =	vadd.s32 v1, v4;
	_ =	sdelay $0x3  }
0x4f: {  	v3 =	vperm.xlane v3, v2  }
0x50: {  	[hbm4b:s3+s2] =	stream.indirect_vreg.scatter [tilespmem:s20], [sflag:$0x1], $0x80, v4, vm0, $0xb8;
	[tilespmem:$0xC100] =	vst v63  }
0x51: {  	v3 =	vadd.s32 v1, v3  }
0x52: {  	[hbm4b:s4+s2] =	stream.indirect_vreg.scatter [tilespmem:s21], [sflag:$0x1], $0x80, v4, vm0, $0xb8;
	[tilespmem:$0xC100] =	vst v63  }
0x53: {  	_ = 	snop  }
0x54: {  	[hbm4b:s5+s2] =	stream.indirect_vreg.scatter [tilespmem:s22], [sflag:$0x1], $0x80, v4, vm0, $0xb8;
	[tilespmem:$0xC100] =	vst v63  }
0x55: {  	_ = 	snop  }
0x56: {  	[hbm4b:s3+s2] =	stream.indirect_vreg.scatter [tilespmem:s23], [sflag:$0x1], $0x80, v3, vm0, $0xb8;
	[tilespmem:$0xC100] =	vst v63  }
0x57: {  	_ = 	snop  }
0x58: {  	[hbm4b:s4+s2] =	stream.indirect_vreg.scatter [tilespmem:s24], [sflag:$0x1], $0x80, v3, vm0, $0xb8;
	[tilespmem:$0xC100] =	vst v63  }
0x59: {  	_ = 	snop  }
0x5a: {  	[hbm4b:s5+s2] =	stream.indirect_vreg.scatter [tilespmem:s25], [sflag:$0x1], $0x80, v3, vm0, $0xb8;
	[tilespmem:$0xC100] =	vst v63  }
0x5b: {  	v3 =	vld [tilespmem:$0x30];
	_ =	sdelay $0x4  }
0x5c: {  	v59 =	vshrl.u32 v3, $0x3  }
0x5d: {  	v4 =	vmul.u32 $0x30, v59  }
0x5e: {  	v3 =	vand.u32 $0x7, v3  }
0x5f: {  	v3 =	vor.u32 v3, v4  }
0x60: {  	v4 =	vperm.xlane v3, v0;
	_ =	sdelay $0x1  }
0x61: {  	v4 =	vadd.s32 v1, v4;
	_ =	sdelay $0x3  }
0x62: {  	v3 =	vperm.xlane v3, v2  }
0x63: {  	[hbm4b:s3+s2] =	stream.indirect_vreg.scatter [tilespmem:s26], [sflag:$0x1], $0x80, v4, vm0, $0xb8;
	[tilespmem:$0xC100] =	vst v63  }
0x64: {  	v3 =	vadd.s32 v1, v3  }
0x65: {  	[hbm4b:s4+s2] =	stream.indirect_vreg.scatter [tilespmem:s28], [sflag:$0x1], $0x80, v4, vm0, $0xb8;
	[tilespmem:$0xC100] =	vst v63  }
0x66: {  	_ = 	snop  }
0x67: {  	[hbm4b:s5+s2] =	stream.indirect_vreg.scatter [tilespmem:s29], [sflag:$0x1], $0x80, v4, vm0, $0xb8;
	[tilespmem:$0xC100] =	vst v63  }
0x68: {  	_ = 	snop  }
0x69: {  	[hbm4b:s3+s2] =	stream.indirect_vreg.scatter [tilespmem:s30], [sflag:$0x1], $0x80, v3, vm0, $0xb8;
	[tilespmem:$0xC100] =	vst v63  }
0x6a: {  	_ = 	snop  }
0x6b: {  	[hbm4b:s4+s2] =	stream.indirect_vreg.scatter [tilespmem:s31], [sflag:$0x1], $0x80, v3, vm0, $0xb8;
	[tilespmem:$0xC100] =	vst v63  }
0x6c: {  	_ = 	snop  }
0x6d: {  	[hbm4b:s5+s2] =	stream.indirect_vreg.scatter [tilespmem:s0], [sflag:$0x1], $0x80, v3, vm0, $0xb8;
	[tilespmem:$0xC100] =	vst v63  }
0x6e: {  	_ =	swait.ge [sflag:s1], $0xC000  }
0x6f: {  	[sflag:s1] =	ssyncset.done $0x0  }
0x70: {  	[sflag:s1] =	ssyncadd.s32 $0xFFFF4000  }
0x71: {  	v3 =	vld [tilespmem:$0x80];
	_ =	sdelay $0x4  }
0x72: {  	v60 =	vshrl.u32 v3, $0x3  }
0x73: {  	v4 =	vmul.u32 $0x30, v60  }
0x74: {  	v3 =	vand.u32 $0x7, v3  }
0x75: {  	v3 =	vor.u32 v3, v4  }
0x76: {  	v4 =	vperm.xlane v3, v0;
	_ =	sdelay $0x1  }
0x77: {  	v4 =	vadd.s32 v1, v4;
	_ =	sdelay $0x3  }
0x78: {  	v3 =	vperm.xlane v3, v2  }
0x79: {  	[hbm4b:s3+s2] =	stream.indirect_vreg.scatter [tilespmem:s8], [sflag:$0x1], $0x80, v4, vm0, $0xb8;
	[tilespmem:$0xC100] =	vst v63  }
0x7a: {  	v3 =	vadd.s32 v1, v3  }
0x7b: {  	[hbm4b:s4+s2] =	stream.indirect_vreg.scatter [tilespmem:s9], [sflag:$0x1], $0x80, v4, vm0, $0xb8;
	[tilespmem:$0xC100] =	vst v63  }
0x7c: {  	_ = 	snop  }
0x7d: {  	[hbm4b:s5+s2] =	stream.indirect_vreg.scatter [tilespmem:s10], [sflag:$0x1], $0x80, v4, vm0, $0xb8;
	[tilespmem:$0xC100] =	vst v63  }
0x7e: {  	_ = 	snop  }
0x7f: {  	[hbm4b:s3+s2] =	stream.indirect_vreg.scatter [tilespmem:s11], [sflag:$0x1], $0x80, v3, vm0, $0xb8;
	[tilespmem:$0xC100] =	vst v63  }
0x80: {  	_ = 	snop  }
0x81: {  	[hbm4b:s4+s2] =	stream.indirect_vreg.scatter [tilespmem:s12], [sflag:$0x1], $0x80, v3, vm0, $0xb8;
	[tilespmem:$0xC100] =	vst v63  }
0x82: {  	_ = 	snop  }
0x83: {  	[hbm4b:s5+s2] =	stream.indirect_vreg.scatter [tilespmem:s13], [sflag:$0x1], $0x80, v3, vm0, $0xb8;
	[tilespmem:$0xC100] =	vst v63  }
0x84: {  	v3 =	vld [tilespmem:$0x90];
	_ =	sdelay $0x4  }
0x85: {  	v61 =	vshrl.u32 v3, $0x3  }
0x86: {  	v4 =	vmul.u32 $0x30, v61  }
0x87: {  	v3 =	vand.u32 $0x7, v3  }
0x88: {  	v3 =	vor.u32 v3, v4  }
0x89: {  	v4 =	vperm.xlane v3, v0;
	_ =	sdelay $0x1  }
0x8a: {  	v4 =	vadd.s32 v1, v4;
	_ =	sdelay $0x3  }
0x8b: {  	v3 =	vperm.xlane v3, v2  }
0x8c: {  	[hbm4b:s3+s2] =	stream.indirect_vreg.scatter [tilespmem:s14], [sflag:$0x1], $0x80, v4, vm0, $0xb8;
	[tilespmem:$0xC100] =	vst v63  }
0x8d: {  	v3 =	vadd.s32 v1, v3  }
0x8e: {  	[hbm4b:s4+s2] =	stream.indirect_vreg.scatter [tilespmem:s15], [sflag:$0x1], $0x80, v4, vm0, $0xb8;
	[tilespmem:$0xC100] =	vst v63  }
0x8f: {  	_ = 	snop  }
0x90: {  	[hbm4b:s5+s2] =	stream.indirect_vreg.scatter [tilespmem:s16], [sflag:$0x1], $0x80, v4, vm0, $0xb8;
	[tilespmem:$0xC100] =	vst v63  }
0x91: {  	_ = 	snop  }
0x92: {  	[hbm4b:s3+s2] =	stream.indirect_vreg.scatter [tilespmem:s17], [sflag:$0x1], $0x80, v3, vm0, $0xb8;
	[tilespmem:$0xC100] =	vst v63  }
0x93: {  	_ = 	snop  }
0x94: {  	[hbm4b:s4+s2] =	stream.indirect_vreg.scatter [tilespmem:s18], [sflag:$0x1], $0x80, v3, vm0, $0xb8;
	[tilespmem:$0xC100] =	vst v63  }
0x95: {  	_ = 	snop  }
0x96: {  	[hbm4b:s5+s2] =	stream.indirect_vreg.scatter [tilespmem:s19], [sflag:$0x1], $0x80, v3, vm0, $0xb8;
	[tilespmem:$0xC100] =	vst v63  }
0x97: {  	v3 =	vld [tilespmem:$0xA0];
	_ =	sdelay $0x4  }
0x98: {  	v62 =	vshrl.u32 v3, $0x3  }
0x99: {  	v4 =	vmul.u32 $0x30, v62  }
0x9a: {  	v3 =	vand.u32 $0x7, v3  }
0x9b: {  	v3 =	vor.u32 v3, v4  }
0x9c: {  	v4 =	vperm.xlane v3, v0;
	_ =	sdelay $0x1  }
0x9d: {  	v4 =	vadd.s32 v1, v4;
	_ =	sdelay $0x3  }
0x9e: {  	v3 =	vperm.xlane v3, v2  }
0x9f: {  	[hbm4b:s3+s2] =	stream.indirect_vreg.scatter [tilespmem:s20], [sflag:$0x1], $0x80, v4, vm0, $0xb8;
	[tilespmem:$0xC100] =	vst v63  }
0xa0: {  	v3 =	vadd.s32 v1, v3  }
0xa1: {  	[hbm4b:s4+s2] =	stream.indirect_vreg.scatter [tilespmem:s21], [sflag:$0x1], $0x80, v4, vm0, $0xb8;
	[tilespmem:$0xC100] =	vst v63  }
0xa2: {  	_ = 	snop  }
0xa3: {  	[hbm4b:s5+s2] =	stream.indirect_vreg.scatter [tilespmem:s22], [sflag:$0x1], $0x80, v4, vm0, $0xb8;
	[tilespmem:$0xC100] =	vst v63  }
0xa4: {  	_ = 	snop  }
0xa5: {  	[hbm4b:s3+s2] =	stream.indirect_vreg.scatter [tilespmem:s23], [sflag:$0x1], $0x80, v3, vm0, $0xb8;
	[tilespmem:$0xC100] =	vst v63  }
0xa6: {  	_ = 	snop  }
0xa7: {  	[hbm4b:s4+s2] =	stream.indirect_vreg.scatter [tilespmem:s24], [sflag:$0x1], $0x80, v3, vm0, $0xb8;
	[tilespmem:$0xC100] =	vst v63  }
0xa8: {  	_ = 	snop  }
0xa9: {  	[hbm4b:s5+s2] =	stream.indirect_vreg.scatter [tilespmem:s25], [sflag:$0x1], $0x80, v3, vm0, $0xb8;
	[tilespmem:$0xC100] =	vst v63  }
0xaa: {  	v3 =	vld [tilespmem:$0xB0];
	_ =	sdelay $0x4  }
0xab: {  	v63 =	vshrl.u32 v3, $0x3  }
0xac: {  	v4 =	vmul.u32 $0x30, v63  }
0xad: {  	v3 =	vand.u32 $0x7, v3  }
0xae: {  	v3 =	vor.u32 v3, v4  }
0xaf: {  	v4 =	vperm.xlane v3, v0;
	_ =	sdelay $0x1  }
0xb0: {  	v4 =	vadd.s32 v1, v4;
	_ =	sdelay $0x3  }
0xb1: {  	v3 =	vperm.xlane v3, v2  }
0xb2: {  	[hbm4b:s3+s2] =	stream.indirect_vreg.scatter [tilespmem:s26], [sflag:$0x1], $0x80, v4, vm0, $0xb8;
	[tilespmem:$0xC100] =	vst v63  }
0xb3: {  	v3 =	vadd.s32 v1, v3  }
0xb4: {  	[hbm4b:s4+s2] =	stream.indirect_vreg.scatter [tilespmem:s28], [sflag:$0x1], $0x80, v4, vm0, $0xb8;
	[tilespmem:$0xC100] =	vst v63  }
0xb5: {  	_ = 	snop  }
0xb6: {  	[hbm4b:s5+s2] =	stream.indirect_vreg.scatter [tilespmem:s29], [sflag:$0x1], $0x80, v4, vm0, $0xb8;
	[tilespmem:$0xC100] =	vst v63  }
0xb7: {  	_ = 	snop  }
0xb8: {  	[hbm4b:s3+s2] =	stream.indirect_vreg.scatter [tilespmem:s30], [sflag:$0x1], $0x80, v3, vm0, $0xb8;
	[tilespmem:$0xC100] =	vst v63  }
0xb9: {  	p0 =	sne.s32 s6, $0x1  }
0xba: {  	[hbm4b:s4+s2] =	stream.indirect_vreg.scatter [tilespmem:s31], [sflag:$0x1], $0x80, v3, vm0, $0xb8;
	[tilespmem:$0xC100] =	vst v63  }
.Ltmp0:
0xbb: {  	_ = 	snop;
	(pc) =	sbr.rel @p0 .LBB2_1-.Ltmp0, $4  }
0xbc: {  	[hbm4b:s5+s2] =	stream.indirect_vreg.scatter [tilespmem:s0], [sflag:$0x1], $0x80, v3, vm0, $0xb8;
	[tilespmem:$0xC100] =	vst v63  }
0xbd: {  	_ =	swait.ge [sflag:s1], $0xC000  }
0xbe: {  	[sflag:s1] =	ssyncset.done $0x0  }
0xbf: {  	s6 =	sadd.s32 $0xFFFFFFFF, s6;
	[sflag:s1] =	ssyncadd.s32 $0xFFFF4000  }
0xc0: {  	_ =	sfence.sel $0x180000  }
0xc1: {  	[bflag:$0x0] =	sbarrier.arrive $0xFFFF  }
0xc2: {  	_ =	strace $0x90000047  }
0xc3: {  	s0 =	stileid.u32;
	[bflag:$0x2] =	sbarrier.arrive $0xFFFF  }
0xc4: {  	p0 =	sne.s32 s0, $0x0;
	s0 =	rddreg [dreg:$0x3]  }
0xc5: {  	s0 =	sadd.s32 @!p0 $0x100000, s0  }
0xc6: {  	[sflag:s0] =	ssyncadd.tile.s32 @!p0 $0x1;
	_ =	shalt  }
.Lfunc_end2:
_tile_overlayer_lowered:
.L_overlay_start_2:
0xc7: {  	(tag) =	ssettag $0x2  }
0xc8: {  	s0 =	rddreg [dreg:$0x0];
	s2 =	stileid.u32  }
0xc9: {  	s1 =	rddreg [dreg:$0x1];
	p0 =	sne.s32 s2, $0x0  }
0xca: {  	s3 =	rddreg [dreg:$0x2];
	[bflag:$0x3] =	sbarrier.arrive $0xFFFF;
	s2 =	simm.s32 @!p0 $0x1C02  }
0xcb: {  	[timem:s3], [sflag:s2] =	dma.local @!p0 [hbm:s0], s1  }
0xcc: {  	s0 =	simm.s32 @!p0 $0x2  }
0xcd: {  	_ =	swait.ge @!p0 [sflag:s0], s1  }
0xce: {  	s1 =	ssub.s32 @!p0 $0x0, s1;
	[sflag:s0] =	ssyncset.done @!p0 $0x0  }
0xcf: {  	[sflag:s0] =	ssyncadd.s32 @!p0 s1  }
0xd0: {  	[bflag:$0x3] =	sbarrier.arrive $0xFFFF  }
0xd1: {  	_ =	shalt  }

</sc_bundles>
